<compile_context>
chip_gen: v7x
topology: tpu7x:2x2x1
jax: 0.10.2.dev20260603
libtpu: 0.0.44.dev20260713+nightly
codegen_flags: <defaults>
</compile_context>

<pallas_src>
import functools

import jax
import jax.numpy as jnp
from jax import lax
from jax.experimental import pallas as pl
from jax.experimental.pallas import tpu as pltpu
from jax.experimental.pallas import tpu_sc as plsc

N = 10000
E = 320000
D_FEAT = 128
D_HID = 64
D_COM = 8
D_TYPE = 8
H = 32
NCLS = 4

NC = 2
NS = 16
LANES = 16
NW = NC * NS
E_PER_W = E // NW


NB = 2048
G = (N + NB - 1) // NB
NPAD = G * NB


def _tc_body(nf, x2, We1, be1, We2, be2, Wn1, bn1, Wn2,
             bn2, sd_out, np_out, w_s, colsum_s, sd_s):
    f32 = jnp.float32
    i = pl.program_id(0)

    def mm(a, b):
        return jax.lax.dot(a, b, precision=jax.lax.Precision.HIGHEST,
                           preferred_element_type=f32)

    @pl.when(i == 0)
    def _prep():
        We2v = We2[:]
        Wn2v = Wn2[:]
        w_s[0:128, :] = jnp.concatenate(
            [mm(We1[0:128, :], We2v), mm(We1[208:336, :], We2v),
             mm(Wn1[0:128, :], Wn2v)], axis=1)
        w_s[128:192, :] = jnp.concatenate(
            [mm(We1[128:192, :], We2v), mm(We1[336:400, :], We2v),
             mm(Wn1[128:192, :], Wn2v)], axis=1)
        w_s[192:200, :] = jnp.concatenate(
            [mm(We1[192:200, :], We2v), mm(We1[200:208, :], We2v),
             mm(Wn1[264:272, :], Wn2v)], axis=1)
        w_s[200:208, :] = jnp.concatenate(
            [mm(We1[408:416, :], We2v), mm(We1[400:408, :], We2v),
             mm(Wn1[256:264, :], Wn2v)], axis=1)
        colsum_s[:, :] = jnp.zeros((1, 80), f32)

    x2v = x2[:]
    y = mm(nf[:], w_s[0:128, :]) + mm(x2v, w_s[128:208, :])
    sd_s[:, pl.ds(i * NB, NB)] = y[:, 0:2].T

    valid = (lax.broadcasted_iota(jnp.int32, (NB, 1), 0) + i * NB) < N
    colsum_s[:, :] = colsum_s[:, :] + jnp.sum(
        jnp.where(valid, x2v, 0.0), axis=0, keepdims=True)

    @pl.when(i < G - 1)
    def _wr():
        np_out[pl.ds(i * NB, NB), :] = y[:, 2:6]

    @pl.when(i == G - 1)
    def _finish():
        np_out[pl.ds((G - 1) * NB, N - (G - 1) * NB), :] = (
            y[0:N - (G - 1) * NB, 2:6])
        We2v = We2[:]
        Wn2v = Wn2[:]
        mean = colsum_s[:, 0:D_HID] * (1.0 / N)
        c_edge = (mm(mean, mm(We1[416:480, :], We2v))
                  + mm(be1[:].reshape(1, H), We2v)
                  + be2[:].reshape(1, 1))
        c_node = (mm(mean, mm(Wn1[192:256, :], Wn2v))
                  + mm(bn1[:].reshape(1, H), Wn2v)
                  + bn2[:].reshape(1, NCLS))
        sd_bias = jnp.concatenate(
            [c_edge, jnp.zeros((1, 1), jnp.float32)], axis=0)
        sd_out[:, :] = sd_s[:, :] + sd_bias
        np_out[:, :] = np_out[:, :] + c_node


def _node_stage(nf, x2, We1, be1, We2, be2, Wn1, bn1, Wn2, bn2):
    full = lambda shape: pl.BlockSpec(shape, lambda i: (0, 0))
    return pl.pallas_call(
        _tc_body,
        grid=(G,),
        in_specs=[
            pl.BlockSpec((NB, D_FEAT), lambda i: (i, 0)),
            pl.BlockSpec((NB, 80), lambda i: (i, 0)),
            full((480, H)), pl.BlockSpec((H,), lambda i: (0,)),
            full((H, 1)), pl.BlockSpec((1,), lambda i: (0,)),
            full((272, H)), pl.BlockSpec((H,), lambda i: (0,)),
            full((H, NCLS)), pl.BlockSpec((NCLS,), lambda i: (0,)),
        ],
        out_specs=(
            full((2, NPAD)),
            full((N, NCLS)),
        ),
        out_shape=(
            jax.ShapeDtypeStruct((2, NPAD), jnp.float32),
            jax.ShapeDtypeStruct((N, NCLS), jnp.float32),
        ),
        scratch_shapes=[
            pltpu.VMEM((208, 6), jnp.float32),
            pltpu.VMEM((1, 80), jnp.float32),
            pltpu.VMEM((2, NPAD), jnp.float32),
        ],
    )(nf, x2, We1, be1, We2, be2, Wn1, bn1, Wn2, bn2)


CW = 10240
CWL = E - 31 * CW


def _sc_edge_body(sd_hbm, ei_hbm, out_hbm, sd_v, ei_v, out_v):
    wid = lax.axis_index("s") * NC + lax.axis_index("c")
    base = wid * CW
    pltpu.sync_copy(sd_hbm, sd_v)

    def run(chunk, unroll):
        pltpu.sync_copy(ei_hbm.at[:, pl.ds(base, chunk)],
                        ei_v.at[:, pl.ds(0, chunk)])

        @plsc.parallel_loop(0, chunk, LANES, unroll=unroll)
        def _body(off):
            si = ei_v[0, pl.ds(off, LANES)]
            di = ei_v[1, pl.ds(off, LANES)] + NPAD
            sv = plsc.load_gather(sd_v, [si])
            dv = plsc.load_gather(sd_v, [di])
            out_v[pl.ds(off, LANES)] = sv + dv

        pltpu.sync_copy(out_v.at[pl.ds(0, chunk)],
                        out_hbm.at[pl.ds(base, chunk)])

    @pl.when(wid < NW - 1)
    def _main():
        run(CW, 20)

    @pl.when(wid == NW - 1)
    def _tail():
        run(CWL, 20)


@functools.lru_cache(maxsize=None)
def _edge_stage():
    return pl.kernel(
        _sc_edge_body,
        out_type=jax.ShapeDtypeStruct((E,), jnp.float32),
        mesh=plsc.VectorSubcoreMesh(core_axis_name="c",
                                    subcore_axis_name="s"),
        compiler_params=pltpu.CompilerParams(needs_layout_passes=False),
        scratch_types=[
            pltpu.VMEM((2 * NPAD,), jnp.float32),
            pltpu.VMEM((2, CW), jnp.int32),
            pltpu.VMEM((CW,), jnp.float32),
        ],
    )


def kernel(node_features, node_hidden, common_vars, type_emb, edge_index,
           We1, be1, We2, be2, Wn1, bn1, Wn2, bn2):
    x2 = jnp.concatenate([node_hidden, common_vars, type_emb], axis=1)
    sd, node_pred = _node_stage(
        node_features, x2, We1, be1, We2, be2, Wn1, bn1, Wn2, bn2)
    edge_pred = _edge_stage()(sd.reshape(2 * NPAD), edge_index)
    return (edge_pred, node_pred)

# --- scband reference (transcript-rebuilt; emitter-appended) ---
"""Pipeline reference for scband-set2-graph-57234734186752 (READ-ONLY COPY).

The authoritative reference and input builder live on the scoring server;
editing this copy changes nothing except your own understanding.
"""

import jax, jax.numpy as jnp
import numpy as np

N = 10000
E = 320000
D_FEAT = 128
D_HID = 64
D_COM = 8
D_TYPE = 8
H = 32
NCLS = 4
EDGE_IN = 2 * D_FEAT + 3 * D_HID + 2 * D_COM + 2 * D_TYPE  # 480
NODE_IN = D_FEAT + 2 * D_HID + D_TYPE + D_COM  # 272


def setup_inputs(seed: int = 0) -> dict:
    key = jax.random.key(seed)
    ks = jax.random.split(key, 13)
    node_features = jax.random.normal(ks[0], (N, D_FEAT), dtype=jnp.float32)
    node_hidden = jax.random.normal(ks[1], (N, D_HID), dtype=jnp.float32)
    common_vars = jax.random.normal(ks[2], (N, D_COM), dtype=jnp.float32)
    type_emb = jax.random.normal(ks[3], (N, D_TYPE), dtype=jnp.float32)
    edge_index = jax.random.randint(ks[4], (2, E), 0, N, dtype=jnp.int32)
    # edge classifier: Linear(EDGE_IN, 32) -> Linear(32, 1)  (build_layers with features=[32])
    We1 = jax.random.normal(ks[5], (EDGE_IN, H), dtype=jnp.float32) / np.sqrt(EDGE_IN)
    be1 = jnp.zeros((H,), dtype=jnp.float32)
    We2 = jax.random.normal(ks[6], (H, 1), dtype=jnp.float32) / np.sqrt(H)
    be2 = jnp.zeros((1,), dtype=jnp.float32)
    # node classifier: Linear(NODE_IN, 32) -> Linear(32, NCLS)
    Wn1 = jax.random.normal(ks[7], (NODE_IN, H), dtype=jnp.float32) / np.sqrt(NODE_IN)
    bn1 = jnp.zeros((H,), dtype=jnp.float32)
    Wn2 = jax.random.normal(ks[8], (H, NCLS), dtype=jnp.float32) / np.sqrt(H)
    bn2 = jnp.zeros((NCLS,), dtype=jnp.float32)
    return {
        'node_features': node_features,
        'node_hidden': node_hidden,
        'common_vars': common_vars,
        'type_emb': type_emb,
        'edge_index': edge_index,
        'We1': We1, 'be1': be1, 'We2': We2, 'be2': be2,
        'Wn1': Wn1, 'bn1': bn1, 'Wn2': Wn2, 'bn2': bn2,
    }


def reference(node_features, node_hidden, common_vars, type_emb, edge_index,
              We1, be1, We2, be2, Wn1, bn1, Wn2, bn2):
    # mean node hidden rep over the (single) graph, broadcast to all nodes
    mean_hidden = jnp.mean(node_hidden, axis=0, keepdims=True)
    mean_bc = jnp.broadcast_to(mean_hidden, node_hidden.shape)
    src = edge_index[0]
    dst = edge_index[1]
    # classify_edges: cat of src/dst features (order per original module)
    edge_in = jnp.concatenate([
        node_features[src], node_hidden[src], common_vars[src],
        common_vars[dst], node_features[dst], node_hidden[dst],
        type_emb[dst], type_emb[src], mean_bc[dst],
    ], axis=1)
    edge_h = edge_in @ We1 + be1
    edge_pred = (edge_h @ We2 + be2)[:, 0]
    # node classifier
    node_in = jnp.concatenate([
        node_features, node_hidden, mean_bc, type_emb, common_vars,
    ], axis=1)
    node_h = node_in @ Wn1 + bn1
    node_pred = node_h @ Wn2 + bn2
    return (edge_pred, node_pred)

if __name__ == "__main__":
    import jax
    _d = setup_inputs()
    print(jax.jit(kernel)(*tuple(_d.values())))

</pallas_src>

<mosaic_0001>
#map = affine_map<(d0, d1) -> (0)>
#map1 = affine_map<(d0, d1) -> (0, 0)>
module attributes {stable_mosaic.version = 14 : i64} {
  func.func @_sc_edge_body(%arg0: i32, %arg1: i32, %arg2: memref<20480xf32, #tpu.memory_space<hbm>>, %arg3: memref<2x320000xi32, #tpu.memory_space<hbm>>, %arg4: memref<320000xf32, #tpu.memory_space<hbm>>, %arg5: memref<20480xf32, #tpu.memory_space<vmem>>, %arg6: memref<2x10240xi32, #tpu.memory_space<vmem>>, %arg7: memref<10240xf32, #tpu.memory_space<vmem>>) attributes {dimension_semantics = [#tpu.dimension_semantics<core_parallel>, #tpu.dimension_semantics<subcore_parallel>], iteration_bounds = array<i64: 2, 16>, scalar_prefetch = 0 : i64, scratch_operands = 3 : i64, tpu.core_type = #tpu.core_type<sc_vector_subcore>, window_params = [{transform_indices = #map}, {transform_indices = #map1}, {transform_indices = #map}]} {
    %mul3A = arith.constant 2 : i32
    %mul3A_0 = arith.muli %arg1, %mul3A : i32
    %add3A = arith.addi %mul3A_0, %arg0 : i32
    %mul3A_1 = arith.constant 10240 : i32
    %mul3A_2 = arith.muli %add3A, %mul3A_1 : i32
    "tpu.region"() ({
      %run_scoped3A = tpu.sem_alloc : memref<!tpu.dma_semaphore, #tpu.memory_space<semaphore_mem>>
      tpu.enqueue_dma source(%arg2 : memref<20480xf32, #tpu.memory_space<hbm>>) target(%arg5 : memref<20480xf32, #tpu.memory_space<vmem>>) target_semaphore(%run_scoped3A : memref<!tpu.dma_semaphore, #tpu.memory_space<semaphore_mem>>)
      tpu.wait_dma2 semaphore(%run_scoped3A : memref<!tpu.dma_semaphore, #tpu.memory_space<semaphore_mem>>) src(%arg2 : memref<20480xf32, #tpu.memory_space<hbm>>) dst(%arg5 : memref<20480xf32, #tpu.memory_space<vmem>>)
      tpu.yield
    }) : () -> ()
    %lt3A = arith.constant 31 : i32
    %lt3A_3 = arith.cmpi slt, %add3A, %lt3A : i32
    %convert_element_type3A = arith.extui %lt3A_3 : i1 to i32
    %cond3A = arith.constant 0 : i32
    %cond3A_4 = arith.cmpi ne, %convert_element_type3A, %cond3A : i32
    scf.if %cond3A_4 {
      "tpu.region"() ({
        %run_scoped3A = tpu.sem_alloc : memref<!tpu.dma_semaphore, #tpu.memory_space<semaphore_mem>>
        %dma_start3A = arith.constant 0 : i32
        %dma_start3A_11 = arith.constant 0 : i32
        %dma_start3A_12 = tpu.memref_slice %arg6[%dma_start3A, %dma_start3A_11] : memref<2x10240xi32, #tpu.memory_space<vmem>> -> memref<2x10240xi32, #tpu.memory_space<vmem>>
        %dma_start3A_13 = arith.constant 0 : i32
        %dma_start3A_14 = tpu.memref_slice %arg3[%dma_start3A_13, %mul3A_2] : memref<2x320000xi32, #tpu.memory_space<hbm>> -> memref<2x10240xi32, #tpu.memory_space<hbm>>
        %dma_start3A_15 = arith.constant 0 : i32
        %dma_start3A_16 = arith.constant 0 : i32
        %dma_start3A_17 = tpu.memref_slice %arg6[%dma_start3A_15, %dma_start3A_16] : memref<2x10240xi32, #tpu.memory_space<vmem>> -> memref<2x10240xi32, #tpu.memory_space<vmem>>
        %dma_start3A_18 = arith.constant 0 : i32
        %dma_start3A_19 = tpu.memref_slice %arg3[%dma_start3A_18, %mul3A_2] : memref<2x320000xi32, #tpu.memory_space<hbm>> -> memref<2x10240xi32, #tpu.memory_space<hbm>>
        tpu.enqueue_dma source(%dma_start3A_19 : memref<2x10240xi32, #tpu.memory_space<hbm>>) target(%dma_start3A_17 : memref<2x10240xi32, #tpu.memory_space<vmem>>) target_semaphore(%run_scoped3A : memref<!tpu.dma_semaphore, #tpu.memory_space<semaphore_mem>>)
        %dma_wait3A = arith.constant 0 : i32
        %dma_wait3A_20 = arith.constant 0 : i32
        %dma_wait3A_21 = tpu.memref_slice %arg6[%dma_wait3A, %dma_wait3A_20] : memref<2x10240xi32, #tpu.memory_space<vmem>> -> memref<2x10240xi32, #tpu.memory_space<vmem>>
        %dma_wait3A_22 = arith.constant 0 : i32
        %dma_wait3A_23 = tpu.memref_slice %arg3[%dma_wait3A_22, %mul3A_2] : memref<2x320000xi32, #tpu.memory_space<hbm>> -> memref<2x10240xi32, #tpu.memory_space<hbm>>
        %dma_wait3A_24 = arith.constant 0 : i32
        %dma_wait3A_25 = arith.constant 0 : i32
        %dma_wait3A_26 = tpu.memref_slice %arg6[%dma_wait3A_24, %dma_wait3A_25] : memref<2x10240xi32, #tpu.memory_space<vmem>> -> memref<2x10240xi32, #tpu.memory_space<vmem>>
        %dma_wait3A_27 = arith.constant 0 : i32
        %dma_wait3A_28 = tpu.memref_slice %arg3[%dma_wait3A_27, %mul3A_2] : memref<2x320000xi32, #tpu.memory_space<hbm>> -> memref<2x10240xi32, #tpu.memory_space<hbm>>
        tpu.wait_dma2 semaphore(%run_scoped3A : memref<!tpu.dma_semaphore, #tpu.memory_space<semaphore_mem>>) src(%dma_wait3A_28 : memref<2x10240xi32, #tpu.memory_space<hbm>>) dst(%dma_wait3A_26 : memref<2x10240xi32, #tpu.memory_space<vmem>>)
        tpu.yield
      }) : () -> ()
      %parallel_loop3A = arith.constant 0 : i32
      %parallel_loop3A_9 = arith.constant 10240 : i32
      %parallel_loop3A_10 = arith.constant 16 : i32
      scf.for %parallel_loop3A_11 = %parallel_loop3A to %parallel_loop3A_9 step %parallel_loop3A_10  : i32 {
        %parallel_loop3A_12 = arith.constant 0 : i32
        %parallel_loop3A_13 = arith.index_cast %parallel_loop3A_12 : i32 to index
        %parallel_loop3A_14 = arith.index_cast %parallel_loop3A_11 : i32 to index
        %parallel_loop3A_15 = tpu.vector_load %arg6[%parallel_loop3A_13, %parallel_loop3A_14] {strides = array<i32>} : memref<2x10240xi32, #tpu.memory_space<vmem>>, vector<16xi32>,
        %parallel_loop3A_16 = arith.constant 1 : i32
        %parallel_loop3A_17 = arith.index_cast %parallel_loop3A_16 : i32 to index
        %parallel_loop3A_18 = arith.index_cast %parallel_loop3A_11 : i32 to index
        %parallel_loop3A_19 = tpu.vector_load %arg6[%parallel_loop3A_17, %parallel_loop3A_18] {strides = array<i32>} : memref<2x10240xi32, #tpu.memory_space<vmem>>, vector<16xi32>,
        %parallel_loop3A_20 = arith.constant 10240 : i32
        %parallel_loop3A_21 = vector.broadcast %parallel_loop3A_20 : i32 to vector<16xi32>
        %parallel_loop3A_22 = arith.addi %parallel_loop3A_19, %parallel_loop3A_21 : vector<16xi32>
        %parallel_loop3A_23 = tpu.vector_load_idx %arg5[%parallel_loop3A_15] : memref<20480xf32, #tpu.memory_space<vmem>>[vector<16xi32>], vector<16xf32>,
        %parallel_loop3A_24 = tpu.vector_load_idx %arg5[%parallel_loop3A_22] : memref<20480xf32, #tpu.memory_space<vmem>>[vector<16xi32>], vector<16xf32>,
        %parallel_loop3A_25 = arith.addf %parallel_loop3A_23, %parallel_loop3A_24 : vector<16xf32>
        %parallel_loop3A_26 = arith.index_cast %parallel_loop3A_11 : i32 to index
        %parallel_loop3A_27 = tpu.vector_load %arg7[%parallel_loop3A_26] {strides = array<i32>} : memref<10240xf32, #tpu.memory_space<vmem>>, vector<16xf32>,
        tpu.vector_store %arg7[%parallel_loop3A_26], %parallel_loop3A_25 {strides = array<i32>} : memref<10240xf32, #tpu.memory_space<vmem>>, vector<16xf32>,
      } {sc.loop_unroll_factor = 20 : i64, sc.parallel_access}
      "tpu.region"() ({
        %run_scoped3A = tpu.sem_alloc : memref<!tpu.dma_semaphore, #tpu.memory_space<semaphore_mem>>
        %dma_start3A = arith.constant 0 : i32
        %dma_start3A_11 = tpu.memref_slice %arg7[%dma_start3A] : memref<10240xf32, #tpu.memory_space<vmem>> -> memref<10240xf32, #tpu.memory_space<vmem>>
        %dma_start3A_12 = tpu.memref_slice %arg4[%mul3A_2] : memref<320000xf32, #tpu.memory_space<hbm>> -> memref<10240xf32, #tpu.memory_space<hbm>>
        %dma_start3A_13 = tpu.memref_slice %arg4[%mul3A_2] : memref<320000xf32, #tpu.memory_space<hbm>> -> memref<10240xf32, #tpu.memory_space<hbm>>
        %dma_start3A_14 = arith.constant 0 : i32
        %dma_start3A_15 = tpu.memref_slice %arg7[%dma_start3A_14] : memref<10240xf32, #tpu.memory_space<vmem>> -> memref<10240xf32, #tpu.memory_space<vmem>>
        tpu.enqueue_dma source(%dma_start3A_15 : memref<10240xf32, #tpu.memory_space<vmem>>) target(%dma_start3A_13 : memref<10240xf32, #tpu.memory_space<hbm>>) target_semaphore(%run_scoped3A : memref<!tpu.dma_semaphore, #tpu.memory_space<semaphore_mem>>)
        %dma_wait3A = arith.constant 0 : i32
        %dma_wait3A_16 = tpu.memref_slice %arg7[%dma_wait3A] : memref<10240xf32, #tpu.memory_space<vmem>> -> memref<10240xf32, #tpu.memory_space<vmem>>
        %dma_wait3A_17 = tpu.memref_slice %arg4[%mul3A_2] : memref<320000xf32, #tpu.memory_space<hbm>> -> memref<10240xf32, #tpu.memory_space<hbm>>
        %dma_wait3A_18 = tpu.memref_slice %arg4[%mul3A_2] : memref<320000xf32, #tpu.memory_space<hbm>> -> memref<10240xf32, #tpu.memory_space<hbm>>
        %dma_wait3A_19 = arith.constant 0 : i32
        %dma_wait3A_20 = tpu.memref_slice %arg7[%dma_wait3A_19] : memref<10240xf32, #tpu.memory_space<vmem>> -> memref<10240xf32, #tpu.memory_space<vmem>>
        tpu.wait_dma2 semaphore(%run_scoped3A : memref<!tpu.dma_semaphore, #tpu.memory_space<semaphore_mem>>) src(%dma_wait3A_20 : memref<10240xf32, #tpu.memory_space<vmem>>) dst(%dma_wait3A_18 : memref<10240xf32, #tpu.memory_space<hbm>>)
        tpu.yield
      }) : () -> ()
    } else {
    }
    %eq3A = arith.constant 31 : i32
    %eq3A_5 = arith.cmpi eq, %add3A, %eq3A : i32
    %convert_element_type3A_6 = arith.extui %eq3A_5 : i1 to i32
    %cond3A_7 = arith.constant 0 : i32
    %cond3A_8 = arith.cmpi ne, %convert_element_type3A_6, %cond3A_7 : i32
    scf.if %cond3A_8 {
      "tpu.region"() ({
        %run_scoped3A = tpu.sem_alloc : memref<!tpu.dma_semaphore, #tpu.memory_space<semaphore_mem>>
        %dma_start3A = arith.constant 0 : i32
        %dma_start3A_11 = arith.constant 0 : i32
        %dma_start3A_12 = tpu.memref_slice %arg6[%dma_start3A, %dma_start3A_11] : memref<2x10240xi32, #tpu.memory_space<vmem>> -> memref<2x2560xi32, #tpu.memory_space<vmem>>
        %dma_start3A_13 = arith.constant 0 : i32
        %dma_start3A_14 = tpu.memref_slice %arg3[%dma_start3A_13, %mul3A_2] : memref<2x320000xi32, #tpu.memory_space<hbm>> -> memref<2x2560xi32, #tpu.memory_space<hbm>>
        %dma_start3A_15 = arith.constant 0 : i32
        %dma_start3A_16 = arith.constant 0 : i32
        %dma_start3A_17 = tpu.memref_slice %arg6[%dma_start3A_15, %dma_start3A_16] : memref<2x10240xi32, #tpu.memory_space<vmem>> -> memref<2x2560xi32, #tpu.memory_space<vmem>>
        %dma_start3A_18 = arith.constant 0 : i32
        %dma_start3A_19 = tpu.memref_slice %arg3[%dma_start3A_18, %mul3A_2] : memref<2x320000xi32, #tpu.memory_space<hbm>> -> memref<2x2560xi32, #tpu.memory_space<hbm>>
        tpu.enqueue_dma source(%dma_start3A_19 : memref<2x2560xi32, #tpu.memory_space<hbm>>) target(%dma_start3A_17 : memref<2x2560xi32, #tpu.memory_space<vmem>>) target_semaphore(%run_scoped3A : memref<!tpu.dma_semaphore, #tpu.memory_space<semaphore_mem>>)
        %dma_wait3A = arith.constant 0 : i32
        %dma_wait3A_20 = arith.constant 0 : i32
        %dma_wait3A_21 = tpu.memref_slice %arg6[%dma_wait3A, %dma_wait3A_20] : memref<2x10240xi32, #tpu.memory_space<vmem>> -> memref<2x2560xi32, #tpu.memory_space<vmem>>
        %dma_wait3A_22 = arith.constant 0 : i32
        %dma_wait3A_23 = tpu.memref_slice %arg3[%dma_wait3A_22, %mul3A_2] : memref<2x320000xi32, #tpu.memory_space<hbm>> -> memref<2x2560xi32, #tpu.memory_space<hbm>>
        %dma_wait3A_24 = arith.constant 0 : i32
        %dma_wait3A_25 = arith.constant 0 : i32
        %dma_wait3A_26 = tpu.memref_slice %arg6[%dma_wait3A_24, %dma_wait3A_25] : memref<2x10240xi32, #tpu.memory_space<vmem>> -> memref<2x2560xi32, #tpu.memory_space<vmem>>
        %dma_wait3A_27 = arith.constant 0 : i32
        %dma_wait3A_28 = tpu.memref_slice %arg3[%dma_wait3A_27, %mul3A_2] : memref<2x320000xi32, #tpu.memory_space<hbm>> -> memref<2x2560xi32, #tpu.memory_space<hbm>>
        tpu.wait_dma2 semaphore(%run_scoped3A : memref<!tpu.dma_semaphore, #tpu.memory_space<semaphore_mem>>) src(%dma_wait3A_28 : memref<2x2560xi32, #tpu.memory_space<hbm>>) dst(%dma_wait3A_26 : memref<2x2560xi32, #tpu.memory_space<vmem>>)
        tpu.yield
      }) : () -> ()
      %parallel_loop3A = arith.constant 0 : i32
      %parallel_loop3A_9 = arith.constant 2560 : i32
      %parallel_loop3A_10 = arith.constant 16 : i32
      scf.for %parallel_loop3A_11 = %parallel_loop3A to %parallel_loop3A_9 step %parallel_loop3A_10  : i32 {
        %parallel_loop3A_12 = arith.constant 0 : i32
        %parallel_loop3A_13 = arith.index_cast %parallel_loop3A_12 : i32 to index
        %parallel_loop3A_14 = arith.index_cast %parallel_loop3A_11 : i32 to index
        %parallel_loop3A_15 = tpu.vector_load %arg6[%parallel_loop3A_13, %parallel_loop3A_14] {strides = array<i32>} : memref<2x10240xi32, #tpu.memory_space<vmem>>, vector<16xi32>,
        %parallel_loop3A_16 = arith.constant 1 : i32
        %parallel_loop3A_17 = arith.index_cast %parallel_loop3A_16 : i32 to index
        %parallel_loop3A_18 = arith.index_cast %parallel_loop3A_11 : i32 to index
        %parallel_loop3A_19 = tpu.vector_load %arg6[%parallel_loop3A_17, %parallel_loop3A_18] {strides = array<i32>} : memref<2x10240xi32, #tpu.memory_space<vmem>>, vector<16xi32>,
        %parallel_loop3A_20 = arith.constant 10240 : i32
        %parallel_loop3A_21 = vector.broadcast %parallel_loop3A_20 : i32 to vector<16xi32>
        %parallel_loop3A_22 = arith.addi %parallel_loop3A_19, %parallel_loop3A_21 : vector<16xi32>
        %parallel_loop3A_23 = tpu.vector_load_idx %arg5[%parallel_loop3A_15] : memref<20480xf32, #tpu.memory_space<vmem>>[vector<16xi32>], vector<16xf32>,
        %parallel_loop3A_24 = tpu.vector_load_idx %arg5[%parallel_loop3A_22] : memref<20480xf32, #tpu.memory_space<vmem>>[vector<16xi32>], vector<16xf32>,
        %parallel_loop3A_25 = arith.addf %parallel_loop3A_23, %parallel_loop3A_24 : vector<16xf32>
        %parallel_loop3A_26 = arith.index_cast %parallel_loop3A_11 : i32 to index
        %parallel_loop3A_27 = tpu.vector_load %arg7[%parallel_loop3A_26] {strides = array<i32>} : memref<10240xf32, #tpu.memory_space<vmem>>, vector<16xf32>,
        tpu.vector_store %arg7[%parallel_loop3A_26], %parallel_loop3A_25 {strides = array<i32>} : memref<10240xf32, #tpu.memory_space<vmem>>, vector<16xf32>,
      } {sc.loop_unroll_factor = 20 : i64, sc.parallel_access}
      "tpu.region"() ({
        %run_scoped3A = tpu.sem_alloc : memref<!tpu.dma_semaphore, #tpu.memory_space<semaphore_mem>>
        %dma_start3A = arith.constant 0 : i32
        %dma_start3A_11 = tpu.memref_slice %arg7[%dma_start3A] : memref<10240xf32, #tpu.memory_space<vmem>> -> memref<2560xf32, #tpu.memory_space<vmem>>
        %dma_start3A_12 = tpu.memref_slice %arg4[%mul3A_2] : memref<320000xf32, #tpu.memory_space<hbm>> -> memref<2560xf32, #tpu.memory_space<hbm>>
        %dma_start3A_13 = tpu.memref_slice %arg4[%mul3A_2] : memref<320000xf32, #tpu.memory_space<hbm>> -> memref<2560xf32, #tpu.memory_space<hbm>>
        %dma_start3A_14 = arith.constant 0 : i32
        %dma_start3A_15 = tpu.memref_slice %arg7[%dma_start3A_14] : memref<10240xf32, #tpu.memory_space<vmem>> -> memref<2560xf32, #tpu.memory_space<vmem>>
        tpu.enqueue_dma source(%dma_start3A_15 : memref<2560xf32, #tpu.memory_space<vmem>>) target(%dma_start3A_13 : memref<2560xf32, #tpu.memory_space<hbm>>) target_semaphore(%run_scoped3A : memref<!tpu.dma_semaphore, #tpu.memory_space<semaphore_mem>>)
        %dma_wait3A = arith.constant 0 : i32
        %dma_wait3A_16 = tpu.memref_slice %arg7[%dma_wait3A] : memref<10240xf32, #tpu.memory_space<vmem>> -> memref<2560xf32, #tpu.memory_space<vmem>>
        %dma_wait3A_17 = tpu.memref_slice %arg4[%mul3A_2] : memref<320000xf32, #tpu.memory_space<hbm>> -> memref<2560xf32, #tpu.memory_space<hbm>>
        %dma_wait3A_18 = tpu.memref_slice %arg4[%mul3A_2] : memref<320000xf32, #tpu.memory_space<hbm>> -> memref<2560xf32, #tpu.memory_space<hbm>>
        %dma_wait3A_19 = arith.constant 0 : i32
        %dma_wait3A_20 = tpu.memref_slice %arg7[%dma_wait3A_19] : memref<10240xf32, #tpu.memory_space<vmem>> -> memref<2560xf32, #tpu.memory_space<vmem>>
        tpu.wait_dma2 semaphore(%run_scoped3A : memref<!tpu.dma_semaphore, #tpu.memory_space<semaphore_mem>>) src(%dma_wait3A_20 : memref<2560xf32, #tpu.memory_space<vmem>>) dst(%dma_wait3A_18 : memref<2560xf32, #tpu.memory_space<hbm>>)
        tpu.yield
      }) : () -> ()
    } else {
    }
    return
  }
}

module attributes {stable_mosaic.version = 14 : i64} {
  func.func @_tc_body(%arg0: i32, %arg1: memref<2048x128xf32, #tpu.memory_space<vmem>>, %arg2: memref<2048x80xf32, #tpu.memory_space<vmem>>, %arg3: memref<480x32xf32, #tpu.memory_space<vmem>>, %arg4: memref<32xf32, #tpu.memory_space<vmem>>, %arg5: memref<32x1xf32, #tpu.memory_space<vmem>>, %arg6: memref<1xf32, #tpu.memory_space<vmem>>, %arg7: memref<272x32xf32, #tpu.memory_space<vmem>>, %arg8: memref<32xf32, #tpu.memory_space<vmem>>, %arg9: memref<32x4xf32, #tpu.memory_space<vmem>>, %arg10: memref<4xf32, #tpu.memory_space<vmem>>, %arg11: memref<2x10240xf32, #tpu.memory_space<vmem>>, %arg12: memref<10000x4xf32, #tpu.memory_space<vmem>>, %arg13: memref<208x6xf32, #tpu.memory_space<vmem>>, %arg14: memref<1x80xf32, #tpu.memory_space<vmem>>, %arg15: memref<2x10240xf32, #tpu.memory_space<vmem>>) attributes {dimension_semantics = [#tpu.dimension_semantics<arbitrary>], iteration_bounds = array<i64: 5>, scalar_prefetch = 0 : i64, scratch_operands = 3 : i64, tpu.core_type = #tpu.core_type<tc>, window_params = [{transform_indices = @transform_0, window_bounds = array<i64: 2048, 128>}, {transform_indices = @transform_1, window_bounds = array<i64: 2048, 80>}, {pipeline_mode = #tpu.pipeline_mode<synchronous>, transform_indices = @transform_2, window_bounds = array<i64: 480, 32>}, {pipeline_mode = #tpu.pipeline_mode<synchronous>, transform_indices = @transform_3, window_bounds = array<i64: 32>}, {pipeline_mode = #tpu.pipeline_mode<synchronous>, transform_indices = @transform_4, window_bounds = array<i64: 32, 1>}, {pipeline_mode = #tpu.pipeline_mode<synchronous>, transform_indices = @transform_5, window_bounds = array<i64: 1>}, {pipeline_mode = #tpu.pipeline_mode<synchronous>, transform_indices = @transform_6, window_bounds = array<i64: 272, 32>}, {pipeline_mode = #tpu.pipeline_mode<synchronous>, transform_indices = @transform_7, window_bounds = array<i64: 32>}, {pipeline_mode = #tpu.pipeline_mode<synchronous>, transform_indices = @transform_8, window_bounds = array<i64: 32, 4>}, {pipeline_mode = #tpu.pipeline_mode<synchronous>, transform_indices = @transform_9, window_bounds = array<i64: 4>}, {pipeline_mode = #tpu.pipeline_mode<synchronous>, transform_indices = @transform_10, window_bounds = array<i64: 2, 10240>}, {pipeline_mode = #tpu.pipeline_mode<synchronous>, transform_indices = @transform_11, window_bounds = array<i64: 10000, 4>}]} {
    %eq3A = arith.constant 0 : i32
    %eq3A_0 = arith.cmpi eq, %arg0, %eq3A : i32
    %convert_element_type3A = arith.extui %eq3A_0 : i1 to i32
    %cond3A = arith.constant 0 : i32
    %cond3A_1 = arith.cmpi ne, %convert_element_type3A, %cond3A : i32
    scf.if %cond3A_1 {
      %get3A_46 = arith.constant 0 : index
      %get3A_47 = arith.constant 0 : index
      %get3A_48 = vector.load %arg5[%get3A_46, %get3A_47] : memref<32x1xf32, #tpu.memory_space<vmem>>, vector<32x1xf32>
      %get3A_49 = arith.constant 0 : index
      %get3A_50 = arith.constant 0 : index
      %get3A_51 = vector.load %arg9[%get3A_49, %get3A_50] : memref<32x4xf32, #tpu.memory_space<vmem>>, vector<32x4xf32>
      %get3A_52 = arith.constant 0 : index
      %get3A_53 = arith.constant 0 : index
      %get3A_54 = vector.load %arg3[%get3A_52, %get3A_53] : memref<480x32xf32, #tpu.memory_space<vmem>>, vector<128x32xf32>
      %dot_general3A_55 = arith.constant dense<0.000000e+00> : vector<128x1xf32>
      %dot_general3A_56 = tpu.matmul %get3A_54, %get3A_48, %dot_general3A_55 {dimension_numbers = #tpu.dot_dimension_numbers<[1], [0], [0], [1], [0, 0, 1, 1], [], []>, precision = #tpu.contract_precision<fp32>, transpose_lhs_hint = false} : vector<128x32xf32>, vector<32x1xf32>, vector<128x1xf32> -> vector<128x1xf32>
      %get3A_57 = arith.constant 208 : index
      %get3A_58 = arith.constant 0 : index
      %get3A_59 = vector.load %arg3[%get3A_57, %get3A_58] : memref<480x32xf32, #tpu.memory_space<vmem>>, vector<128x32xf32>
      %dot_general3A_60 = arith.constant dense<0.000000e+00> : vector<128x1xf32>
      %dot_general3A_61 = tpu.matmul %get3A_59, %get3A_48, %dot_general3A_60 {dimension_numbers = #tpu.dot_dimension_numbers<[1], [0], [0], [1], [0, 0, 1, 1], [], []>, precision = #tpu.contract_precision<fp32>, transpose_lhs_hint = false} : vector<128x32xf32>, vector<32x1xf32>, vector<128x1xf32> -> vector<128x1xf32>
      %get3A_62 = arith.constant 0 : index
      %get3A_63 = arith.constant 0 : index
      %get3A_64 = vector.load %arg7[%get3A_62, %get3A_63] : memref<272x32xf32, #tpu.memory_space<vmem>>, vector<128x32xf32>
      %dot_general3A_65 = arith.constant dense<0.000000e+00> : vector<128x4xf32>
      %dot_general3A_66 = tpu.matmul %get3A_64, %get3A_51, %dot_general3A_65 {dimension_numbers = #tpu.dot_dimension_numbers<[1], [0], [0], [1], [0, 0, 1, 1], [], []>, precision = #tpu.contract_precision<fp32>, transpose_lhs_hint = false} : vector<128x32xf32>, vector<32x4xf32>, vector<128x4xf32> -> vector<128x4xf32>
      %concatenate3A = tpu.concatenate %dot_general3A_56, %dot_general3A_61, %dot_general3A_66 in 1 : vector<128x1xf32>, vector<128x1xf32>, vector<128x4xf32> -> vector<128x6xf32>
      %swap3A_67 = arith.constant 0 : index
      %swap3A_68 = arith.constant 0 : index
      %swap3A_69 = vector.load %arg13[%swap3A_67, %swap3A_68] : memref<208x6xf32, #tpu.memory_space<vmem>>, vector<128x6xf32>
      tpu.vector_store %arg13[%swap3A_67, %swap3A_68], %concatenate3A {strides = array<i32>} : memref<208x6xf32, #tpu.memory_space<vmem>>, vector<128x6xf32>,
      %get3A_70 = arith.constant 128 : index
      %get3A_71 = arith.constant 0 : index
      %get3A_72 = vector.load %arg3[%get3A_70, %get3A_71] : memref<480x32xf32, #tpu.memory_space<vmem>>, vector<64x32xf32>
      %dot_general3A_73 = arith.constant dense<0.000000e+00> : vector<64x1xf32>
      %dot_general3A_74 = tpu.matmul %get3A_72, %get3A_48, %dot_general3A_73 {dimension_numbers = #tpu.dot_dimension_numbers<[1], [0], [0], [1], [0, 0, 1, 1], [], []>, precision = #tpu.contract_precision<fp32>, transpose_lhs_hint = false} : vector<64x32xf32>, vector<32x1xf32>, vector<64x1xf32> -> vector<64x1xf32>
      %get3A_75 = arith.constant 336 : index
      %get3A_76 = arith.constant 0 : index
      %get3A_77 = vector.load %arg3[%get3A_75, %get3A_76] : memref<480x32xf32, #tpu.memory_space<vmem>>, vector<64x32xf32>
      %dot_general3A_78 = arith.constant dense<0.000000e+00> : vector<64x1xf32>
      %dot_general3A_79 = tpu.matmul %get3A_77, %get3A_48, %dot_general3A_78 {dimension_numbers = #tpu.dot_dimension_numbers<[1], [0], [0], [1], [0, 0, 1, 1], [], []>, precision = #tpu.contract_precision<fp32>, transpose_lhs_hint = false} : vector<64x32xf32>, vector<32x1xf32>, vector<64x1xf32> -> vector<64x1xf32>
      %get3A_80 = arith.constant 128 : index
      %get3A_81 = arith.constant 0 : index
      %get3A_82 = vector.load %arg7[%get3A_80, %get3A_81] : memref<272x32xf32, #tpu.memory_space<vmem>>, vector<64x32xf32>
      %dot_general3A_83 = arith.constant dense<0.000000e+00> : vector<64x4xf32>
      %dot_general3A_84 = tpu.matmul %get3A_82, %get3A_51, %dot_general3A_83 {dimension_numbers = #tpu.dot_dimension_numbers<[1], [0], [0], [1], [0, 0, 1, 1], [], []>, precision = #tpu.contract_precision<fp32>, transpose_lhs_hint = false} : vector<64x32xf32>, vector<32x4xf32>, vector<64x4xf32> -> vector<64x4xf32>
      %concatenate3A_85 = tpu.concatenate %dot_general3A_74, %dot_general3A_79, %dot_general3A_84 in 1 : vector<64x1xf32>, vector<64x1xf32>, vector<64x4xf32> -> vector<64x6xf32>
      %swap3A_86 = arith.constant 128 : index
      %swap3A_87 = arith.constant 0 : index
      %swap3A_88 = vector.load %arg13[%swap3A_86, %swap3A_87] : memref<208x6xf32, #tpu.memory_space<vmem>>, vector<64x6xf32>
      tpu.vector_store %arg13[%swap3A_86, %swap3A_87], %concatenate3A_85 {strides = array<i32>} : memref<208x6xf32, #tpu.memory_space<vmem>>, vector<64x6xf32>,
      %get3A_89 = arith.constant 192 : index
      %get3A_90 = arith.constant 0 : index
      %get3A_91 = vector.load %arg3[%get3A_89, %get3A_90] : memref<480x32xf32, #tpu.memory_space<vmem>>, vector<8x32xf32>
      %dot_general3A_92 = arith.constant dense<0.000000e+00> : vector<8x1xf32>
      %dot_general3A_93 = tpu.matmul %get3A_91, %get3A_48, %dot_general3A_92 {dimension_numbers = #tpu.dot_dimension_numbers<[1], [0], [0], [1], [0, 0, 1, 1], [], []>, precision = #tpu.contract_precision<fp32>, transpose_lhs_hint = false} : vector<8x32xf32>, vector<32x1xf32>, vector<8x1xf32> -> vector<8x1xf32>
      %get3A_94 = arith.constant 200 : index
      %get3A_95 = arith.constant 0 : index
      %get3A_96 = vector.load %arg3[%get3A_94, %get3A_95] : memref<480x32xf32, #tpu.memory_space<vmem>>, vector<8x32xf32>
      %dot_general3A_97 = arith.constant dense<0.000000e+00> : vector<8x1xf32>
      %dot_general3A_98 = tpu.matmul %get3A_96, %get3A_48, %dot_general3A_97 {dimension_numbers = #tpu.dot_dimension_numbers<[1], [0], [0], [1], [0, 0, 1, 1], [], []>, precision = #tpu.contract_precision<fp32>, transpose_lhs_hint = false} : vector<8x32xf32>, vector<32x1xf32>, vector<8x1xf32> -> vector<8x1xf32>
      %get3A_99 = arith.constant 264 : index
      %get3A_100 = arith.constant 0 : index
      %get3A_101 = vector.load %arg7[%get3A_99, %get3A_100] : memref<272x32xf32, #tpu.memory_space<vmem>>, vector<8x32xf32>
      %dot_general3A_102 = arith.constant dense<0.000000e+00> : vector<8x4xf32>
      %dot_general3A_103 = tpu.matmul %get3A_101, %get3A_51, %dot_general3A_102 {dimension_numbers = #tpu.dot_dimension_numbers<[1], [0], [0], [1], [0, 0, 1, 1], [], []>, precision = #tpu.contract_precision<fp32>, transpose_lhs_hint = false} : vector<8x32xf32>, vector<32x4xf32>, vector<8x4xf32> -> vector<8x4xf32>
      %concatenate3A_104 = tpu.concatenate %dot_general3A_93, %dot_general3A_98, %dot_general3A_103 in 1 : vector<8x1xf32>, vector<8x1xf32>, vector<8x4xf32> -> vector<8x6xf32>
      %swap3A_105 = arith.constant 192 : index
      %swap3A_106 = arith.constant 0 : index
      %swap3A_107 = vector.load %arg13[%swap3A_105, %swap3A_106] : memref<208x6xf32, #tpu.memory_space<vmem>>, vector<8x6xf32>
      tpu.vector_store %arg13[%swap3A_105, %swap3A_106], %concatenate3A_104 {strides = array<i32>} : memref<208x6xf32, #tpu.memory_space<vmem>>, vector<8x6xf32>,
      %get3A_108 = arith.constant 408 : index
      %get3A_109 = arith.constant 0 : index
      %get3A_110 = vector.load %arg3[%get3A_108, %get3A_109] : memref<480x32xf32, #tpu.memory_space<vmem>>, vector<8x32xf32>
      %dot_general3A_111 = arith.constant dense<0.000000e+00> : vector<8x1xf32>
      %dot_general3A_112 = tpu.matmul %get3A_110, %get3A_48, %dot_general3A_111 {dimension_numbers = #tpu.dot_dimension_numbers<[1], [0], [0], [1], [0, 0, 1, 1], [], []>, precision = #tpu.contract_precision<fp32>, transpose_lhs_hint = false} : vector<8x32xf32>, vector<32x1xf32>, vector<8x1xf32> -> vector<8x1xf32>
      %get3A_113 = arith.constant 400 : index
      %get3A_114 = arith.constant 0 : index
      %get3A_115 = vector.load %arg3[%get3A_113, %get3A_114] : memref<480x32xf32, #tpu.memory_space<vmem>>, vector<8x32xf32>
      %dot_general3A_116 = arith.constant dense<0.000000e+00> : vector<8x1xf32>
      %dot_general3A_117 = tpu.matmul %get3A_115, %get3A_48, %dot_general3A_116 {dimension_numbers = #tpu.dot_dimension_numbers<[1], [0], [0], [1], [0, 0, 1, 1], [], []>, precision = #tpu.contract_precision<fp32>, transpose_lhs_hint = false} : vector<8x32xf32>, vector<32x1xf32>, vector<8x1xf32> -> vector<8x1xf32>
      %get3A_118 = arith.constant 256 : index
      %get3A_119 = arith.constant 0 : index
      %get3A_120 = vector.load %arg7[%get3A_118, %get3A_119] : memref<272x32xf32, #tpu.memory_space<vmem>>, vector<8x32xf32>
      %dot_general3A_121 = arith.constant dense<0.000000e+00> : vector<8x4xf32>
      %dot_general3A_122 = tpu.matmul %get3A_120, %get3A_51, %dot_general3A_121 {dimension_numbers = #tpu.dot_dimension_numbers<[1], [0], [0], [1], [0, 0, 1, 1], [], []>, precision = #tpu.contract_precision<fp32>, transpose_lhs_hint = false} : vector<8x32xf32>, vector<32x4xf32>, vector<8x4xf32> -> vector<8x4xf32>
      %concatenate3A_123 = tpu.concatenate %dot_general3A_112, %dot_general3A_117, %dot_general3A_122 in 1 : vector<8x1xf32>, vector<8x1xf32>, vector<8x4xf32> -> vector<8x6xf32>
      %swap3A_124 = arith.constant 200 : index
      %swap3A_125 = arith.constant 0 : index
      %swap3A_126 = vector.load %arg13[%swap3A_124, %swap3A_125] : memref<208x6xf32, #tpu.memory_space<vmem>>, vector<8x6xf32>
      tpu.vector_store %arg13[%swap3A_124, %swap3A_125], %concatenate3A_123 {strides = array<i32>} : memref<208x6xf32, #tpu.memory_space<vmem>>, vector<8x6xf32>,
      %broadcast_in_dim3A_127 = arith.constant 0.000000e+00 : f32
      %broadcast_in_dim3A_128 = vector.broadcast %broadcast_in_dim3A_127 : f32 to vector<1x80xf32>
      %swap3A_129 = arith.constant 0 : index
      %swap3A_130 = arith.constant 0 : index
      %swap3A_131 = vector.load %arg14[%swap3A_129, %swap3A_130] : memref<1x80xf32, #tpu.memory_space<vmem>>, vector<1x80xf32>
      tpu.vector_store %arg14[%swap3A_129, %swap3A_130], %broadcast_in_dim3A_128 {strides = array<i32>} : memref<1x80xf32, #tpu.memory_space<vmem>>, vector<1x80xf32>,
    } else {
    }
    %get3A = arith.constant 0 : index
    %get3A_2 = arith.constant 0 : index
    %get3A_3 = vector.load %arg2[%get3A, %get3A_2] : memref<2048x80xf32, #tpu.memory_space<vmem>>, vector<2048x80xf32>
    %get3A_4 = arith.constant 0 : index
    %get3A_5 = arith.constant 0 : index
    %get3A_6 = vector.load %arg1[%get3A_4, %get3A_5] : memref<2048x128xf32, #tpu.memory_space<vmem>>, vector<2048x128xf32>
    %get3A_7 = arith.constant 0 : index
    %get3A_8 = arith.constant 0 : index
    %get3A_9 = vector.load %arg13[%get3A_7, %get3A_8] : memref<208x6xf32, #tpu.memory_space<vmem>>, vector<128x6xf32>
    %dot_general3A = arith.constant dense<0.000000e+00> : vector<2048x6xf32>
    %dot_general3A_10 = tpu.matmul %get3A_6, %get3A_9, %dot_general3A {dimension_numbers = #tpu.dot_dimension_numbers<[1], [0], [0], [1], [0, 0, 1, 1], [], []>, precision = #tpu.contract_precision<fp32>, transpose_lhs_hint = false} : vector<2048x128xf32>, vector<128x6xf32>, vector<2048x6xf32> -> vector<2048x6xf32>
    %get3A_11 = arith.constant 128 : index
    %get3A_12 = arith.constant 0 : index
    %get3A_13 = vector.load %arg13[%get3A_11, %get3A_12] : memref<208x6xf32, #tpu.memory_space<vmem>>, vector<80x6xf32>
    %dot_general3A_14 = arith.constant dense<0.000000e+00> : vector<2048x6xf32>
    %dot_general3A_15 = tpu.matmul %get3A_3, %get3A_13, %dot_general3A_14 {dimension_numbers = #tpu.dot_dimension_numbers<[1], [0], [0], [1], [0, 0, 1, 1], [], []>, precision = #tpu.contract_precision<fp32>, transpose_lhs_hint = false} : vector<2048x80xf32>, vector<80x6xf32>, vector<2048x6xf32> -> vector<2048x6xf32>
    %add3A = arith.addf %dot_general3A_10, %dot_general3A_15 : vector<2048x6xf32>
    %slice3A = vector.extract_strided_slice %add3A {offsets = [0, 0], sizes = [2048, 2], strides = [1, 1]} : vector<2048x6xf32> to vector<2048x2xf32>
    %transpose3A = tpu.transpose %slice3A, [1, 0] : vector<2048x2xf32> -> vector<2x2048xf32>
    %mul3A = arith.constant 2048 : i32
    %mul3A_16 = arith.muli %arg0, %mul3A : i32
    %swap3A = arith.constant 0 : index
    %swap3A_17 = arith.index_cast %mul3A_16 : i32 to index
    %swap3A_18 = vector.load %arg15[%swap3A, %swap3A_17] : memref<2x10240xf32, #tpu.memory_space<vmem>>, vector<2x2048xf32>
    tpu.vector_store %arg15[%swap3A, %swap3A_17], %transpose3A {strides = array<i32>} : memref<2x10240xf32, #tpu.memory_space<vmem>>, vector<2x2048xf32>,
    %iota3A = tpu.iota {dimensions = array<i32: 0>} : vector<2048x1xi32>
    %mul3A_19 = arith.constant 2048 : i32
    %mul3A_20 = arith.muli %arg0, %mul3A_19 : i32
    %add3A_21 = vector.broadcast %mul3A_20 : i32 to vector<2048x1xi32>
    %add3A_22 = arith.addi %iota3A, %add3A_21 : vector<2048x1xi32>
    %lt3A = arith.constant 10000 : i32
    %lt3A_23 = vector.broadcast %lt3A : i32 to vector<2048x1xi32>
    %lt3A_24 = arith.cmpi slt, %add3A_22, %lt3A_23 : vector<2048x1xi32>
    %get3A_25 = arith.constant 0 : index
    %get3A_26 = arith.constant 0 : index
    %get3A_27 = vector.load %arg14[%get3A_25, %get3A_26] : memref<1x80xf32, #tpu.memory_space<vmem>>, vector<1x80xf32>
    %jit3A = arith.constant 0.000000e+00 : f32
    %broadcast_in_dim3A = vector.shape_cast %lt3A_24 : vector<2048x1xi1> to vector<2048x1xi1>
    %broadcast_in_dim3A_28 = vector.broadcast %broadcast_in_dim3A : vector<2048x1xi1> to vector<2048x80xi1>
    %broadcast_in_dim3A_29 = vector.broadcast %jit3A : f32 to vector<2048x80xf32>
    %select_n3A = arith.select %broadcast_in_dim3A_28, %get3A_3, %broadcast_in_dim3A_29 : vector<2048x80xi1>, vector<2048x80xf32>
    %reduce_sum3A = arith.constant dense<0.000000e+00> : vector<80xf32>
    %reduce_sum3A_30 = vector.multi_reduction <add>, %select_n3A, %reduce_sum3A [0] : vector<2048x80xf32> to vector<80xf32>
    %broadcast_in_dim3A_31 = vector.shape_cast %reduce_sum3A_30 : vector<80xf32> to vector<1x80xf32>
    %add3A_32 = arith.addf %get3A_27, %broadcast_in_dim3A_31 : vector<1x80xf32>
    %swap3A_33 = arith.constant 0 : index
    %swap3A_34 = arith.constant 0 : index
    %swap3A_35 = vector.load %arg14[%swap3A_33, %swap3A_34] : memref<1x80xf32, #tpu.memory_space<vmem>>, vector<1x80xf32>
    tpu.vector_store %arg14[%swap3A_33, %swap3A_34], %add3A_32 {strides = array<i32>} : memref<1x80xf32, #tpu.memory_space<vmem>>, vector<1x80xf32>,
    %lt3A_36 = arith.constant 4 : i32
    %lt3A_37 = arith.cmpi slt, %arg0, %lt3A_36 : i32
    %convert_element_type3A_38 = arith.extui %lt3A_37 : i1 to i32
    %cond3A_39 = arith.constant 0 : i32
    %cond3A_40 = arith.cmpi ne, %convert_element_type3A_38, %cond3A_39 : i32
    scf.if %cond3A_40 {
      %slice3A_46 = vector.extract_strided_slice %add3A {offsets = [0, 2], sizes = [2048, 4], strides = [1, 1]} : vector<2048x6xf32> to vector<2048x4xf32>
      %mul3A_47 = arith.constant 2048 : i32
      %mul3A_48 = arith.muli %arg0, %mul3A_47 : i32
      %swap3A_49 = arith.index_cast %mul3A_48 : i32 to index
      %swap3A_50 = arith.constant 0 : index
      %swap3A_51 = vector.load %arg12[%swap3A_49, %swap3A_50] : memref<10000x4xf32, #tpu.memory_space<vmem>>, vector<2048x4xf32>
      tpu.vector_store %arg12[%swap3A_49, %swap3A_50], %slice3A_46 {strides = array<i32>} : memref<10000x4xf32, #tpu.memory_space<vmem>>, vector<2048x4xf32>,
    } else {
    }
    %eq3A_41 = arith.constant 4 : i32
    %eq3A_42 = arith.cmpi eq, %arg0, %eq3A_41 : i32
    %convert_element_type3A_43 = arith.extui %eq3A_42 : i1 to i32
    %cond3A_44 = arith.constant 0 : i32
    %cond3A_45 = arith.cmpi ne, %convert_element_type3A_43, %cond3A_44 : i32
    scf.if %cond3A_45 {
      %slice3A_46 = vector.extract_strided_slice %add3A {offsets = [0, 2], sizes = [1808, 4], strides = [1, 1]} : vector<2048x6xf32> to vector<1808x4xf32>
      %swap3A_47 = arith.constant 8192 : index
      %swap3A_48 = arith.constant 0 : index
      %swap3A_49 = vector.load %arg12[%swap3A_47, %swap3A_48] : memref<10000x4xf32, #tpu.memory_space<vmem>>, vector<1808x4xf32>
      tpu.vector_store %arg12[%swap3A_47, %swap3A_48], %slice3A_46 {strides = array<i32>} : memref<10000x4xf32, #tpu.memory_space<vmem>>, vector<1808x4xf32>,
      %get3A_50 = arith.constant 0 : index
      %get3A_51 = arith.constant 0 : index
      %get3A_52 = vector.load %arg5[%get3A_50, %get3A_51] : memref<32x1xf32, #tpu.memory_space<vmem>>, vector<32x1xf32>
      %get3A_53 = arith.constant 0 : index
      %get3A_54 = arith.constant 0 : index
      %get3A_55 = vector.load %arg9[%get3A_53, %get3A_54] : memref<32x4xf32, #tpu.memory_space<vmem>>, vector<32x4xf32>
      %get3A_56 = arith.constant 0 : index
      %get3A_57 = arith.constant 0 : index
      %get3A_58 = vector.load %arg14[%get3A_56, %get3A_57] : memref<1x80xf32, #tpu.memory_space<vmem>>, vector<1x64xf32>
      %mul3A_59 = arith.constant 9.99999974E-5 : f32
      %mul3A_60 = vector.broadcast %mul3A_59 : f32 to vector<1x64xf32>
      %mul3A_61 = arith.mulf %get3A_58, %mul3A_60 : vector<1x64xf32>
      %get3A_62 = arith.constant 416 : index
      %get3A_63 = arith.constant 0 : index
      %get3A_64 = vector.load %arg3[%get3A_62, %get3A_63] : memref<480x32xf32, #tpu.memory_space<vmem>>, vector<64x32xf32>
      %dot_general3A_65 = arith.constant dense<0.000000e+00> : vector<64x1xf32>
      %dot_general3A_66 = tpu.matmul %get3A_64, %get3A_52, %dot_general3A_65 {dimension_numbers = #tpu.dot_dimension_numbers<[1], [0], [0], [1], [0, 0, 1, 1], [], []>, precision = #tpu.contract_precision<fp32>, transpose_lhs_hint = false} : vector<64x32xf32>, vector<32x1xf32>, vector<64x1xf32> -> vector<64x1xf32>
      %dot_general3A_67 = arith.constant dense<0.000000e+00> : vector<1x1xf32>
      %dot_general3A_68 = tpu.matmul %mul3A_61, %dot_general3A_66, %dot_general3A_67 {dimension_numbers = #tpu.dot_dimension_numbers<[1], [0], [0], [1], [0, 0, 1, 1], [], []>, precision = #tpu.contract_precision<fp32>, transpose_lhs_hint = false} : vector<1x64xf32>, vector<64x1xf32>, vector<1x1xf32> -> vector<1x1xf32>
      %get3A_69 = arith.constant 0 : index
      %get3A_70 = vector.load %arg4[%get3A_69] : memref<32xf32, #tpu.memory_space<vmem>>, vector<32xf32>
      %reshape3A = vector.shape_cast %get3A_70 : vector<32xf32> to vector<1x32xf32>
      %dot_general3A_71 = arith.constant dense<0.000000e+00> : vector<1x1xf32>
      %dot_general3A_72 = tpu.matmul %reshape3A, %get3A_52, %dot_general3A_71 {dimension_numbers = #tpu.dot_dimension_numbers<[1], [0], [0], [1], [0, 0, 1, 1], [], []>, precision = #tpu.contract_precision<fp32>, transpose_lhs_hint = false} : vector<1x32xf32>, vector<32x1xf32>, vector<1x1xf32> -> vector<1x1xf32>
      %add3A_73 = arith.addf %dot_general3A_68, %dot_general3A_72 : vector<1x1xf32>
      %get3A_74 = arith.constant 0 : index
      %get3A_75 = vector.load %arg6[%get3A_74] : memref<1xf32, #tpu.memory_space<vmem>>, vector<1xf32>
      %reshape3A_76 = vector.shape_cast %get3A_75 : vector<1xf32> to vector<1x1xf32>
      %add3A_77 = arith.addf %add3A_73, %reshape3A_76 : vector<1x1xf32>
      %get3A_78 = arith.constant 192 : index
      %get3A_79 = arith.constant 0 : index
      %get3A_80 = vector.load %arg7[%get3A_78, %get3A_79] : memref<272x32xf32, #tpu.memory_space<vmem>>, vector<64x32xf32>
      %dot_general3A_81 = arith.constant dense<0.000000e+00> : vector<64x4xf32>
      %dot_general3A_82 = tpu.matmul %get3A_80, %get3A_55, %dot_general3A_81 {dimension_numbers = #tpu.dot_dimension_numbers<[1], [0], [0], [1], [0, 0, 1, 1], [], []>, precision = #tpu.contract_precision<fp32>, transpose_lhs_hint = false} : vector<64x32xf32>, vector<32x4xf32>, vector<64x4xf32> -> vector<64x4xf32>
      %dot_general3A_83 = arith.constant dense<0.000000e+00> : vector<1x4xf32>
      %dot_general3A_84 = tpu.matmul %mul3A_61, %dot_general3A_82, %dot_general3A_83 {dimension_numbers = #tpu.dot_dimension_numbers<[1], [0], [0], [1], [0, 0, 1, 1], [], []>, precision = #tpu.contract_precision<fp32>, transpose_lhs_hint = false} : vector<1x64xf32>, vector<64x4xf32>, vector<1x4xf32> -> vector<1x4xf32>
      %get3A_85 = arith.constant 0 : index
      %get3A_86 = vector.load %arg8[%get3A_85] : memref<32xf32, #tpu.memory_space<vmem>>, vector<32xf32>
      %reshape3A_87 = vector.shape_cast %get3A_86 : vector<32xf32> to vector<1x32xf32>
      %dot_general3A_88 = arith.constant dense<0.000000e+00> : vector<1x4xf32>
      %dot_general3A_89 = tpu.matmul %reshape3A_87, %get3A_55, %dot_general3A_88 {dimension_numbers = #tpu.dot_dimension_numbers<[1], [0], [0], [1], [0, 0, 1, 1], [], []>, precision = #tpu.contract_precision<fp32>, transpose_lhs_hint = false} : vector<1x32xf32>, vector<32x4xf32>, vector<1x4xf32> -> vector<1x4xf32>
      %add3A_90 = arith.addf %dot_general3A_84, %dot_general3A_89 : vector<1x4xf32>
      %get3A_91 = arith.constant 0 : index
      %get3A_92 = vector.load %arg10[%get3A_91] : memref<4xf32, #tpu.memory_space<vmem>>, vector<4xf32>
      %reshape3A_93 = vector.shape_cast %get3A_92 : vector<4xf32> to vector<1x4xf32>
      %add3A_94 = arith.addf %add3A_90, %reshape3A_93 : vector<1x4xf32>
      %broadcast_in_dim3A_95 = arith.constant 0.000000e+00 : f32
      %broadcast_in_dim3A_96 = vector.broadcast %broadcast_in_dim3A_95 : f32 to vector<1x1xf32>
      %concatenate3A = tpu.concatenate %add3A_77, %broadcast_in_dim3A_96 in 0 : vector<1x1xf32>, vector<1x1xf32> -> vector<2x1xf32>
      %get3A_97 = arith.constant 0 : index
      %get3A_98 = arith.constant 0 : index
      %get3A_99 = vector.load %arg15[%get3A_97, %get3A_98] : memref<2x10240xf32, #tpu.memory_space<vmem>>, vector<2x10240xf32>
      %add3A_100 = vector.broadcast %concatenate3A : vector<2x1xf32> to vector<2x10240xf32>
      %add3A_101 = arith.addf %get3A_99, %add3A_100 : vector<2x10240xf32>
      %swap3A_102 = arith.constant 0 : index
      %swap3A_103 = arith.constant 0 : index
      %swap3A_104 = vector.load %arg11[%swap3A_102, %swap3A_103] : memref<2x10240xf32, #tpu.memory_space<vmem>>, vector<2x10240xf32>
      tpu.vector_store %arg11[%swap3A_102, %swap3A_103], %add3A_101 {strides = array<i32>} : memref<2x10240xf32, #tpu.memory_space<vmem>>, vector<2x10240xf32>,
      %get3A_105 = arith.constant 0 : index
      %get3A_106 = arith.constant 0 : index
      %get3A_107 = vector.load %arg12[%get3A_105, %get3A_106] : memref<10000x4xf32, #tpu.memory_space<vmem>>, vector<10000x4xf32>
      %add3A_108 = vector.broadcast %add3A_94 : vector<1x4xf32> to vector<10000x4xf32>
      %add3A_109 = arith.addf %get3A_107, %add3A_108 : vector<10000x4xf32>
      %swap3A_110 = arith.constant 0 : index
      %swap3A_111 = arith.constant 0 : index
      %swap3A_112 = vector.load %arg12[%swap3A_110, %swap3A_111] : memref<10000x4xf32, #tpu.memory_space<vmem>>, vector<10000x4xf32>
      tpu.vector_store %arg12[%swap3A_110, %swap3A_111], %add3A_109 {strides = array<i32>} : memref<10000x4xf32, #tpu.memory_space<vmem>>, vector<10000x4xf32>,
    } else {
    }
    return
  }
  func.func @transform_0(%arg0: i32) -> (i32, i32) {
    %c0_i32 = arith.constant 0 : i32
    %c0_i32_0 = arith.constant 0 : i32
    return %arg0, %c0_i32 : i32, i32
  }
  func.func @transform_1(%arg0: i32) -> (i32, i32) {
    %c0_i32 = arith.constant 0 : i32
    %c0_i32_0 = arith.constant 0 : i32
    return %arg0, %c0_i32 : i32, i32
  }
  func.func @transform_2(%arg0: i32) -> (i32, i32) {
    %c0_i32 = arith.constant 0 : i32
    %c0_i32_0 = arith.constant 0 : i32
    %c0_i32_1 = arith.constant 0 : i32
    return %c0_i32, %c0_i32_0 : i32, i32
  }
  func.func @transform_3(%arg0: i32) -> i32 {
    %c0_i32 = arith.constant 0 : i32
    %c0_i32_0 = arith.constant 0 : i32
    return %c0_i32 : i32
  }
  func.func @transform_4(%arg0: i32) -> (i32, i32) {
    %c0_i32 = arith.constant 0 : i32
    %c0_i32_0 = arith.constant 0 : i32
    %c0_i32_1 = arith.constant 0 : i32
    return %c0_i32, %c0_i32_0 : i32, i32
  }
  func.func @transform_5(%arg0: i32) -> i32 {
    %c0_i32 = arith.constant 0 : i32
    %c0_i32_0 = arith.constant 0 : i32
    return %c0_i32 : i32
  }
  func.func @transform_6(%arg0: i32) -> (i32, i32) {
    %c0_i32 = arith.constant 0 : i32
    %c0_i32_0 = arith.constant 0 : i32
    %c0_i32_1 = arith.constant 0 : i32
    return %c0_i32, %c0_i32_0 : i32, i32
  }
  func.func @transform_7(%arg0: i32) -> i32 {
    %c0_i32 = arith.constant 0 : i32
    %c0_i32_0 = arith.constant 0 : i32
    return %c0_i32 : i32
  }
  func.func @transform_8(%arg0: i32) -> (i32, i32) {
    %c0_i32 = arith.constant 0 : i32
    %c0_i32_0 = arith.constant 0 : i32
    %c0_i32_1 = arith.constant 0 : i32
    return %c0_i32, %c0_i32_0 : i32, i32
  }
  func.func @transform_9(%arg0: i32) -> i32 {
    %c0_i32 = arith.constant 0 : i32
    %c0_i32_0 = arith.constant 0 : i32
    return %c0_i32 : i32
  }
  func.func @transform_10(%arg0: i32) -> (i32, i32) {
    %c0_i32 = arith.constant 0 : i32
    %c0_i32_0 = arith.constant 0 : i32
    %c0_i32_1 = arith.constant 0 : i32
    return %c0_i32, %c0_i32_0 : i32, i32
  }
  func.func @transform_11(%arg0: i32) -> (i32, i32) {
    %c0_i32 = arith.constant 0 : i32
    %c0_i32_0 = arith.constant 0 : i32
    %c0_i32_1 = arith.constant 0 : i32
    return %c0_i32, %c0_i32_0 : i32, i32
  }
}

</mosaic_0001>

<sc_bundles>
// kernel: kernel.4.cloned.1.call-start
scs
__scs_entry_jumppad:
0x0: {  	(pc) =	sbr.rel $0x88, $3  }
0x1: {  	(tag) =	ssettag $0x0;
	lr =	simm.s32 $0x1  }
0x2: {  	[smem:$0x3F94] =	sst lr;
	_ =	strace $0xD0000000  }
0x3: {  	_ = 	snop  }
0x4: {  	_ = 	snop  }
0x5: {  	_ = 	snop  }
0x6: {  	_ = 	snop  }
0x7: {  	_ = 	snop  }
__scs_overlays_trampoline_lowered:
0x8: {  	[smem:$0x3FA3] =	sst s0  }
0x9: {  	[smem:$0x3FA4] =	sst s1  }
0xa: {  	[smem:$0x3FA5] =	sst s2  }
0xb: {  	[smem:$0x3FA6] =	sst s3  }
0xc: {  	[smem:$0x3FA7] =	sst s4  }
0xd: {  	[smem:$0x3FA8] =	sst s5  }
0xe: {  	[smem:$0x3FA9] =	sst s6  }
0xf: {  	[smem:$0x3FAA] =	sst s7  }
0x10: {  	[smem:$0x3FAB] =	sst s8  }
0x11: {  	[smem:$0x3FAC] =	sst s9;
	s0 =	simm.s32 @!p0 $0x0  }
0x12: {  	s1 =	sld [smem:$0x3F92];
	s0 =	simm.s32 @p0 $0x1  }
0x13: {  	[smem:$0x3FAD] =	sst s0;
	s0 =	simm.s32 @!p1 $0x0  }
0x14: {  	s2 =	sld [smem:$0x3F91];
	s0 =	simm.s32 @p1 $0x1  }
0x15: {  	[smem:$0x3FAE] =	sst s0;
	s0 =	simm.s32 @!p2 $0x0  }
0x16: {  	s3 =	sld [smem:$0x3FDB];
	s0 =	simm.s32 @p2 $0x1  }
0x17: {  	s4 =	simm.s32 $0x1BF5;
	[smem:$0x3FB0] =	sst s0  }
0x18: {  	s0 =	sld [smem:$0x3F93];
	_ =	swait.ge [sflag:s4], $0x0  }
0x19: {  	s7 =	sld [smem:$0x3F94]  }
0x1a: {  	s8 =	sadd.s32 $0xFFFFE003, lr  }
0x1b: {  	s9 =	sadd.s32 $0xFFFFFEF7, lr;
	s5 =	simm.s32 $0xFFFFFFFF;
	p2 =	slt.u32 s8, $0xFFFFF086  }
0x1c: {  	p1 =	slt.u32 s9, $0xF7A;
	s5 =	simm.s32 @!p2 $0x0  }
0x1d: {  	s5 =	simm.s32 @p1 $0x1;
	p0 =	seq.s32 s7, s2  }
0x1e: {  	s7 =	smul.u32 @!p0 $0xF7A, s2;
	p2 =	seq.s32 @!p0 s5, $0x0  }
0x1f: {  	s9 =	smul.u32 $0xF7A, s1;
	s8 =	simm.s32 @!p0 $0x1BF5;
	p2 =	por !p2, p0  }
0x20: {  	[sflag:s8] =	ssyncset.s32 @!p0 $0xFFFFF086;
	s6 =	sadd.s32 @!p0 s3, s7;
	s7 =	simm.s32 @!p0 $0x108  }
0x21: {  	s3 =	sadd.s32 s3, s9;
	s6 =	sadd.s32 @!p0 $0x88, s6;
	s7 =	simm.s32 @p2 $0x1082  }
0x22: {  	[simem:s7], [sflag:s8] =	dma.local @!p0 [hbm:s6], $0xF7A  }
0x23: {  	s9 =	sor.u32 $0xD0000000, s2;
	s6 =	simm.s32 $0x108;
	_ =	swait.ge @!p0 [sflag:s8], $0x0  }
0x24: {  	s3 =	sadd.s32 $0x88, s3;
	s6 =	simm.s32 @!p1 $0x1082;
	[sflag:s4] =	ssyncset.s32 $0xFFFFF086  }
0x25: {  	[simem:s6], [sflag:s4] =	dma.local [hbm:s3], $0xF7A  }
0x26: {  	[smem:$0x3F94] =	sst s1;
	(tag) =	ssettag s2;
	_ =	strace s9  }
0x27: {  	s1 =	sld [smem:$0x3FA4]  }
0x28: {  	s2 =	sld [smem:$0x3FA5]  }
0x29: {  	s4 =	sld [smem:$0x3FA7]  }
0x2a: {  	p0 =	seq.s32 s5, $0x0;
	s5 =	sld [smem:$0x3FA8]  }
0x2b: {  	s6 =	sld [smem:$0x3FA9]  }
0x2c: {  	s7 =	sld [smem:$0x3FAA]  }
0x2d: {  	s3 =	simm.s32 $0x108;
	s8 =	sld [smem:$0x3FAB]  }
0x2e: {  	s3 =	simm.s32 @!p0 $0x1082;
	s9 =	sld [smem:$0x3FAC]  }
0x2f: {  	lr =	sadd.s32 s0, s3;
	s0 =	sld [smem:$0x3FA3]  }
0x30: {  	s3 =	sld [smem:$0x3FA6]  }
0x31: {  	[smem:$0x3FAF] =	sst s10  }
0x32: {  	s10 =	sld [smem:$0x3FAD];
	_ =	sdelay $0x3  }
0x33: {  	p0 =	seq.s32 s10, $0x1;
	s10 =	sld [smem:$0x3FAF];
	_ =	sdelay $0x3  }
0x34: {  	[smem:$0x3FAF] =	sst s10  }
0x35: {  	s10 =	sld [smem:$0x3FAE];
	_ =	sdelay $0x3  }
0x36: {  	p1 =	seq.s32 s10, $0x1;
	s10 =	sld [smem:$0x3FAF];
	_ =	sdelay $0x3  }
0x37: {  	[smem:$0x3FAF] =	sst s10  }
0x38: {  	s10 =	sld [smem:$0x3FB0]  }
0x39: {  	_ = 	snop;
	(pc) =	sbr.ind lr, $3  }
0x3a: {  	_ = 	snop  }
0x3b: {  	_ = 	snop  }
0x3c: {  	p2 =	seq.s32 s10, $0x1;
	s10 =	sld [smem:$0x3FAF]  }
0x3d: {  	_ =	shalt  }
0x3e: {  	_ =	shalt  }
0x3f: {  	_ =	shalt  }
0x40: {  	_ =	shalt  }
0x41: {  	_ =	shalt  }
0x42: {  	_ =	shalt  }
0x43: {  	_ =	shalt  }
0x44: {  	_ =	shalt  }
0x45: {  	_ =	shalt  }
0x46: {  	_ =	shalt  }
0x47: {  	_ =	shalt  }
0x48: {  	_ =	shalt  }
0x49: {  	_ =	shalt  }
0x4a: {  	_ =	shalt  }
0x4b: {  	_ =	shalt  }
0x4c: {  	_ =	shalt  }
0x4d: {  	_ =	shalt  }
0x4e: {  	_ =	shalt  }
0x4f: {  	_ =	shalt  }
0x50: {  	_ =	shalt  }
0x51: {  	_ =	shalt  }
0x52: {  	_ =	shalt  }
0x53: {  	_ =	shalt  }
0x54: {  	_ =	shalt  }
0x55: {  	_ =	shalt  }
0x56: {  	_ =	shalt  }
0x57: {  	_ =	shalt  }
0x58: {  	_ =	shalt  }
0x59: {  	_ =	shalt  }
0x5a: {  	_ =	shalt  }
0x5b: {  	_ =	shalt  }
0x5c: {  	_ =	shalt  }
0x5d: {  	_ =	shalt  }
0x5e: {  	_ =	shalt  }
0x5f: {  	_ =	shalt  }
0x60: {  	_ =	shalt  }
0x61: {  	_ =	shalt  }
0x62: {  	_ =	shalt  }
0x63: {  	_ =	shalt  }
0x64: {  	_ =	shalt  }
0x65: {  	_ =	shalt  }
0x66: {  	_ =	shalt  }
0x67: {  	_ =	shalt  }
0x68: {  	_ =	shalt  }
0x69: {  	_ =	shalt  }
0x6a: {  	_ =	shalt  }
0x6b: {  	_ =	shalt  }
0x6c: {  	_ =	shalt  }
0x6d: {  	_ =	shalt  }
0x6e: {  	_ =	shalt  }
0x6f: {  	_ =	shalt  }
0x70: {  	_ =	shalt  }
0x71: {  	_ =	shalt  }
0x72: {  	_ =	shalt  }
0x73: {  	_ =	shalt  }
0x74: {  	_ =	shalt  }
0x75: {  	_ =	shalt  }
0x76: {  	_ =	shalt  }
0x77: {  	_ =	shalt  }
0x78: {  	_ =	shalt  }
0x79: {  	_ =	shalt  }
0x7a: {  	_ =	shalt  }
0x7b: {  	_ =	shalt  }
0x7c: {  	_ =	shalt  }
0x7d: {  	_ =	shalt  }
0x7e: {  	_ =	shalt  }
0x7f: {  	_ =	shalt  }
0x80: {  	_ =	shalt  }
0x81: {  	_ =	shalt  }
0x82: {  	_ =	shalt  }
0x83: {  	_ =	shalt  }
0x84: {  	_ =	shalt  }
0x85: {  	_ =	shalt  }
0x86: {  	_ =	shalt  }
0x87: {  	_ =	shalt  }
.Lfunc_end0:
.L_simem_size_0:
called_computation_lowered:
.L_overlay_start_0:
0x88: {  	s2 =	sld [smem:$0x3FD9]  }
0x89: {  	s3 =	sld [smem:$0x3FFE];
	_ =	sdelay $0x1  }
0x8a: {  	s1 =	srdreg.scid  }
0x8b: {  	s0 =	sand.u32 $0x1, s1  }
0x8c: {  	s14 =	sshll.u32 s0, $0xA;
	s2 =	sadd.s32 s3, s2  }
0x8d: {  	s2 =	sadd.s32 s2, s14  }
0x8e: {  	[smem:$0x3FBB] =	sst s2  }
0x8f: {  	_ = 	snop  }
0x90: {  	s2 =	sld [smem:$0x3FD0];
	_ =	sdelay $0x2  }
0x91: {  	s4 =	simm.s32 $0xA;
	s5 =	simm.s32 $0x10;
	s15 =	sld [smem:$0x3FC5]  }
0x92: {  	[smem:s5], [sflag:s4] =	dma.local [hbm:s2], $0x1  }
0x93: {  	_ =	swait.eq [sflag:s4], $0x1  }
0x94: {  	[sflag:s4] =	ssyncset.done $0x0  }
0x95: {  	[sflag:s4] =	ssyncadd.s32 $0xFFFFFFFF  }
0x96: {  	s16 =	sld [smem:$0x10];
	(tm) =	ssettm $0x1  }
0x97: {  	s17 =	sld [smem:$0x3FFB];
	_ =	sdelay $0x3  }
0x98: {  	_ =	strace s17  }
0x99: {  	s4 =	sld [smem:$0x3FFC];
	_ =	sdelay $0x3  }
0x9a: {  	_ =	strace s4  }
0x9b: {  	s4 =	sld [smem:$0x3FFD];
	_ =	sdelay $0x3  }
0x9c: {  	_ =	strace s4  }
0x9d: {  	_ =	strace $0x8FFFFFFF  }
0x9e: {  	s18 =	sld [smem:$0x3FDB];
	_ =	sdelay $0x1  }
0x9f: {  	s19 =	simm.s32 $_scs_section_size  }
0xa0: {  	s6 =	simm.s32 $_size__tile_overlayer_lowered;
	s7 =	simm.s32 $_tile_overlayer_lowered  }
0xa1: {  	s22 =	simm.s32 $0x1BFF;
	s21 =	sshll.u32 s7, $0x1;
	s4 =	sadd.s32 s19, s18  }
0xa2: {  	s8 =	simm.s32 $0x0;
	s20 =	sshll.u32 s6, $0x1;
	s6 =	sadd.s32 s21, s4  }
0xa3: {  	[timem:s8], [sflag:s22] =	dma.local [hbm:s6], s20  }
0xa4: {  	_ =	swait.ge [sflag:s22], s20  }
0xa5: {  	s5 =	ssub.s32 $0x0, s20;
	[sflag:s22] =	ssyncset.done $0x0  }
0xa6: {  	[sflag:s22] =	ssyncadd.s32 s5;
	_ =	sdelay $0x1  }
0xa7: {  	s23 =	simm.s32 $0x1B8B  }
0xa8: {  	_ =	swait.ge [sflag:s23], $0x1  }
0xa9: {  	[sflag:s23] =	ssyncset.done $0x0  }
0xaa: {  	s25 =	simm.s32 $0x1B8E;
	s24 =	sld [smem:$0x3FFE];
	[sflag:s23] =	ssyncadd.s32 $0xFFFFFFFF  }
0xab: {  	s26 =	simm.s32 $execute0_lowered;
	[smem:$0x3FD2] =	sst s25  }
0xac: {  	s6 =	sshll.u32 s26, $0x1;
	_ =	strace $0x80000046;
	[dreg:$0x1] =	wrdreg $0xFFFFFFFF  }
0xad: {  	s28 =	simm.s32 $_size_execute0_lowered;
	s4 =	sadd.s32 s4, s6;
	[dreg:$0x0] =	wrdreg $0x0  }
0xae: {  	s6 =	sshll.u32 s28, $0x1;
	[dreg:$0x2] =	wrdreg s4  }
0xaf: {  	[dreg:$0x3] =	wrdreg s6  }
0xb0: {  	[dreg:$0x4] =	wrdreg $0xC0  }
0xb1: {  	_ =	task [dreg:s8], $0x5FFFF  }
0xb2: {  	[dreg:$0x1] =	wrdreg $0xFFFFFFFF  }
0xb3: {  	[dreg:$0x0] =	wrdreg $0x60  }
0xb4: {  	[dreg:$0x2] =	wrdreg s24  }
0xb5: {  	[dreg:$0x3] =	wrdreg s15  }
0xb6: {  	[dreg:$0x4] =	wrdreg s16  }
0xb7: {  	[dreg:$0x5] =	wrdreg $0x9  }
0xb8: {  	_ =	task.clear_ibuf [dreg:s8], $0x6FFFF;
	_ =	strace $0x90000046  }
0xb9: {  	s29 =	simm.s32 $0x9;
	_ =	strace $0x80000048  }
0xba: {  	_ =	swait.ge [sflag:s29], $0x1  }
0xbb: {  	[sflag:s29] =	ssyncadd.s32 $0xFFFFFFFF  }
0xbc: {  	_ =	strace $0x90000048  }
0xbd: {  	_ =	sfence  }
0xbe: {  	s30 =	sld [smem:$0x0];
	_ =	sdelay $0x2  }
0xbf: {  	s31 =	sshll.u32 s1, $0xD;
	s1 =	sshrl.u32 s1, $0x2  }
0xc0: {  	s3 =	sand.u32 $0x4000, s31;
	s1 =	sadd.s32 s1, s30  }
0xc1: {  	s0 =	sor.u32 s3, s0;
	s1 =	sshll.u32 s1, $0x11  }
0xc2: {  	s0 =	sor.u32 s1, s0  }
0xc3: {  	s0 =	sadd.s32 $0x8F2B, s0  }
0xc4: {  	[sflag:s0] =	ssyncadd.remote.s32 $0x1  }
0xc5: {  	_ =	sfence.sel $0xFFFF  }
0xc6: {  	[dreg:$0x0] =	wrdreg $0xFFFFFFFF;
	(pc) =	sbr.abs _section_cstart, $3  }
0xc7: {  	[dreg:$0x1] =	wrdreg $0xFFFFFFFF  }
0xc8: {  	_ =	task.clear_ibuf [dreg:s8], $0x2FFFF;
	_ =	strace $0x9FFFFFFF  }
0xc9: {  	(tm) =	ssettm $0x7FFFFFFF  }
tec
execute0_lowered:
.L_overlay_start_1:
0x0: {  	(tag) =	ssettag $0x1  }
0x1: {  	s3 =	rddreg [dreg:$0x0]  }
0x2: {  	s1 =	srdreg.scid;
	s0 =	stileid.u32  }
0x3: {  	s6 =	rddreg [dreg:$0x1];
	s4 =	sand.u32 $0x1, s1;
	s5 =	sshll.u32 s0, $0x1  }
0x4: {  	s7 =	rddreg [dreg:$0x2];
	s9 =	sor.u32 s4, s5  }
0x5: {  	s2 =	simm.s32 $0x0;
	s12 =	simm.s32 $0x0;
	s5 =	smul.u32 $0xA00, s9  }
0x6: {  	[smem:$0x7FF] =	sst s2;
	s3 =	sadd.s32 $0x2000, s3;
	s10 =	smul.u32 $0x500, s9  }
.Ltmp0:
0x7: {  	s4 =	ssub.s32 $0x2, s4;
	_ =	strace $0x80000047;
	(pc) =	sbr.rel .LBB2_1-.Ltmp0, $4  }
0x8: {  	s8 =	sshrl.u32 s4, $0x1;
	p0 =	seq.s32 s9, $0x1F;
	s9 =	simm.s32 $0x1  }
0x9: {  	s8 =	ssub.s32 s4, s8;
	s30 =	sadd.s32 s6, s5;
	s31 =	sadd.s32 s7, s10  }
0xa: {  	s6 =	sadd.s32 $0x13600, s6;
	s7 =	sadd.s32 $0x9B00, s7;
	[dreg:$0x4] =	wrdreg s30  }
0xb: {  	s8 =	smax.u32 s8, $0x1;
	s5 =	simm.s32 $0x5000;
	[dreg:$0x5] =	wrdreg s31  }
.LBB2_7:
0xc: {  	_ =	sdelay $0x2  }
0xd: {  	[tilespmem:s16+$0x40] =	vst v16  }
0xe: {  	v8 =	vadd.f32 v8, v14;
	v0 =	vld.idx.msk [tilespmem:v0+s2+$0x0], $0xffff;
	[tilespmem:s16+$0x30] =	vst v10  }
0xf: {  	v11 =	vadd.f32 v11, v13;
	v62 =	vld.idx.msk [tilespmem:v15+s2+$0x0], $0xffff;
	[tilespmem:s16+$0xFFFFFFF0] =	vst v3  }
0x10: {  	v5 =	vadd.f32 v12, v5;
	[tilespmem:s16+$0x20] =	vst v8  }
0x11: {  	v4 =	vadd.f32 v6, v4;
	[tilespmem:s22+$0xA000] =	vst v11  }
0x12: {  	v63 =	vadd.f32 v7, v9;
	[tilespmem:s19+$0xA000] =	vst v5  }
0x13: {  	[tilespmem:s16+$0x90] =	vst v4;
	v0 =	vadd.f32 v2, v0  }
0x14: {  	[tilespmem:s16+$0x70] =	vst v63;
	v1 =	vadd.f32 v62, v1  }
0x15: {  	[tilespmem:s16+$0xFFFFFFB0] =	vst v0  }
0x16: {  	s0 =	simm.s32 $0xA000;
	[tilespmem:s16+$0xFFFFFFA0] =	vst v1  }
0x17: {  	[hbm4b:s7+s2] =	stream.linear.scatter [tilespmem:s0], [sflag:$0x1], $0xA00, $0x38;
	[tilespmem:$0xC800] =	vst v63  }
0x18: {  	_ =	swait.ge [sflag:s9], $0xA00  }
0x19: {  	[sflag:s9] =	ssyncset.done $0x0  }
0x1a: {  	s5 =	simm.s32 $0x5000;
	[sflag:s9] =	ssyncadd.s32 $0xFFFFF600  }
.LBB2_8:
0x1b: {  	s12 =	sadd.s32 $0x1, s12  }
0x1c: {  	p1 =	sne.s32 s12, s8  }
.Ltmp1:
0x1d: {  	_ = 	snop;
	(pc) =	sbr.rel @!p1 .LBB2_9-.Ltmp1, $1  }
0x1e: {  	_ =	sdelay $0x3  }
.LBB2_1:
.Ltmp2:
0x1f: {  	(pc) =	sbr.rel @!p0 .LBB2_2-.Ltmp2, $4  }
0x20: {  	[tilespmem:s2], [sflag:$0x1] =	stream.linear.gather [hbm4b:s3+s2], $0x5000, $0x38;
	[tilespmem:$0xC800] =	vst v63  }
0x21: {  	_ =	swait.ge [sflag:s9], $0x5000  }
0x22: {  	[sflag:s9] =	ssyncset.done $0x0  }
0x23: {  	[sflag:s9] =	ssyncadd.s32 $0xFFFFB000  }
0x24: {  	[tilespmem:s5], [sflag:$0x1] =	stream.linear.gather [hbm4b:s6+s2], $0x1400, $0x38;
	[tilespmem:$0xC800] =	vst v63  }
0x25: {  	s0 =	simm.s32 $0x80  }
0x26: {  	s1 =	simm.s32 $0x50;
	s4 =	simm.s32 $0xA0;
	s10 =	simm.s32 $0x40  }
0x27: {  	s20 =	simm.s32 $0x260;
	_ =	swait.ge [sflag:s9], $0x1400;
	s1 =	sand.u32 $0x50, s1  }
0x28: {  	s4 =	sand.u32 $0x3F00, s4;
	s0 =	sand.u32 $0x3F00, s0;
	[sflag:s9] =	ssyncset.done $0x0  }
0x29: {  	s10 =	sand.u32 $0x40, s10;
	s1 =	sor.u32 s1, s4;
	[sflag:s9] =	ssyncadd.s32 $0xFFFFEC00  }
0x2a: {  	s21 =	simm.s32 $0x120;
	s13 =	simm.s32 $0x130;
	s0 =	sor.u32 s10, s0;
	v2 =	vld [tilespmem:s1+$0x5080]  }
0x2b: {  	s26 =	simm.s32 $0xB0;
	s28 =	simm.s32 $0x160;
	s14 =	simm.s32 $0x120;
	v3 =	vld [tilespmem:s0+$0x5080]  }
0x2c: {  	s19 =	simm.s32 $0x60;
	s13 =	sand.u32 $0x70, s13;
	s4 =	sand.u32 $0x3F00, s20;
	v0 =	vld [tilespmem:s1+$0x5000]  }
0x2d: {  	s29 =	sand.u32 $0x70, s26;
	s30 =	sand.u32 $0x3F00, s28;
	s24 =	sor.u32 s13, s4;
	v1 =	vld [tilespmem:s0+$0x5000]  }
0x2e: {  	s17 =	sand.u32 $0x60, s14;
	s14 =	simm.s32 $0xC0;
	s10 =	sand.u32 $0x3F00, s21;
	v6 =	vld [tilespmem:s24+$0x5080]  }
0x2f: {  	s16 =	sor.u32 s29, s30;
	s20 =	sand.u32 $0x60, s19;
	s21 =	sand.u32 $0x3F00, s14;
	v4 =	vld [tilespmem:s24+$0x5000]  }
0x30: {  	s19 =	sor.u32 s20, s21;
	v9 =	vld [tilespmem:s16+$0x5000]  }
0x31: {  	s11 =	simm.s32 $0xA0;
	s22 =	simm.s32 $0x140;
	v14 =	vld [tilespmem:s19+$0x5080]  }
0x32: {  	s25 =	simm.s32 $0x90;
	s11 =	sand.u32 $0x60, s11;
	s23 =	sand.u32 $0x3F00, s22;
	v35 =	vld [tilespmem:s16+$0x5080]  }
0x33: {  	s4 =	sand.u32 $0x50, s25;
	s0 =	sor.u32 s11, s23;
	v60 =	vld [tilespmem:s19+$0x5000]  }
0x34: {  	s4 =	sor.u32 s4, s10;
	v5 =	vld [tilespmem:s0+$0x5000]  }
0x35: {  	s31 =	simm.s32 $0x70;
	s5 =	simm.s32 $0xE0;
	v8 =	vld [tilespmem:s4+$0x5080]  }
0x36: {  	s15 =	simm.s32 $0x240;
	s13 =	sand.u32 $0x3F00, s5;
	s1 =	sand.u32 $0x70, s31;
	v7 =	vld [tilespmem:s4+$0x5000]  }
0x37: {  	s18 =	sand.u32 $0x3F00, s15;
	s1 =	sor.u32 s1, s13;
	v17 =	vld [tilespmem:s0+$0x5080]  }
0x38: {  	s4 =	sor.u32 s17, s18;
	v11 =	vld [tilespmem:s1+$0x5000]  }
0x39: {  	s22 =	simm.s32 $0xD0;
	s15 =	simm.s32 $0x1A0;
	v12 =	vld [tilespmem:s4+$0x5000]  }
0x3a: {  	s25 =	sand.u32 $0x50, s22;
	s24 =	sand.u32 $0x3F00, s15;
	v13 =	vld [tilespmem:s4+$0x5080]  }
0x3b: {  	s28 =	simm.s32 $0xC0;
	s29 =	simm.s32 $0x180;
	s10 =	sor.u32 s25, s24;
	v15 =	vld [tilespmem:s1+$0x5080]  }
0x3c: {  	s5 =	simm.s32 $0x200;
	s11 =	sand.u32 $0x3F00, s29;
	s0 =	sand.u32 $0x40, s28;
	v16 =	vld [tilespmem:s10+$0x5000]  }
0x3d: {  	s23 =	simm.s32 $0x0;
	s13 =	simm.s32 $0x0;
	s0 =	sor.u32 s0, s11;
	v22 =	vld [tilespmem:s10+$0x5080]  }
0x3e: {  	s4 =	sand.u32 $0x1F00, s23;
	s15 =	sand.u32 $0x40, s13;
	s10 =	sand.u32 $0x3F00, s5;
	v21 =	vld [tilespmem:s0+$0x5000]  }
0x3f: {  	s26 =	sadd.s32 $0x5000, s4;
	s17 =	sor.u32 $0x10, s15;
	v24 =	vld [tilespmem:s0+$0x5080];
	s0 =	sor.u32 s15, s10  }
0x40: {  	s14 =	sor.u32 $0x30, s15;
	s4 =	sor.u32 s17, s26;
	v30 =	vld [tilespmem:s0+$0x5080]  }
0x41: {  	s18 =	sor.u32 $0x20, s15;
	s20 =	sor.u32 s14, s26;
	v18 =	vld [tilespmem:s4+$0x80]  }
0x42: {  	s21 =	sor.u32 s18, s26;
	v19 =	vld [tilespmem:s20+$0x80]  }
0x43: {  	s1 =	sor.u32 s15, s26;
	v20 =	vld [tilespmem:s21+$0x80]  }
0x44: {  	v27 =	vld [tilespmem:s1+$0x80]  }
0x45: {  	v36 =	vld [tilespmem:s21+$0x0]  }
0x46: {  	v37 =	vld [tilespmem:s1+$0x0]  }
0x47: {  	v2 =	vadd.s32 $0x2800, v2;
	v1 =	vld.idx.msk [tilespmem:v1+s2+$0x0], $0xffff  }
0x48: {  	v26 =	vld.idx.msk [tilespmem:v9+s2+$0x0], $0xffff  }
0x49: {  	v9 =	vld [tilespmem:s0+$0x5000]  }
0x4a: {  	v4 =	vld.idx.msk [tilespmem:v4+s2+$0x0], $0xffff  }
0x4b: {  	s25 =	simm.s32 $0x100;
	v35 =	vadd.s32 $0x2800, v35;
	v33 =	vld.idx.msk [tilespmem:v5+s2+$0x0], $0xffff  }
0x4c: {  	s0 =	sand.u32 $0x3F00, s25;
	v2 =	vld.idx.msk [tilespmem:v2+s2+$0x0], $0xffff  }
0x4d: {  	s0 =	sor.u32 s15, s0;
	v34 =	vld.idx.msk [tilespmem:v11+s2+$0x0], $0xffff  }
0x4e: {  	v6 =	vadd.s32 $0x2800, v6;
	v11 =	vadd.s32 $0x2800, v14;
	v14 =	vld [tilespmem:s0+$0x5080]  }
0x4f: {  	v8 =	vadd.s32 $0x2800, v8;
	v39 =	vld [tilespmem:s0+$0x5000]  }
0x50: {  	v35 =	vld.idx.msk [tilespmem:v35+s2+$0x0], $0xffff  }
0x51: {  	v17 =	vadd.s32 $0x2800, v17;
	v12 =	vld.idx.msk [tilespmem:v12+s2+$0x0], $0xffff  }
0x52: {  	v15 =	vadd.s32 $0x2800, v15;
	v62 =	vld.idx.msk [tilespmem:v16+s2+$0x0], $0xffff  }
0x53: {  	v22 =	vadd.s32 $0x2800, v22;
	v6 =	vld.idx.msk [tilespmem:v6+s2+$0x0], $0xffff  }
0x54: {  	v13 =	vadd.s32 $0x2800, v13;
	v10 =	vld.idx.msk [tilespmem:v8+s2+$0x0], $0xffff  }
0x55: {  	v8 =	vld [tilespmem:s4+$0x0]  }
0x56: {  	v17 =	vld.idx.msk [tilespmem:v17+s2+$0x0], $0xffff  }
0x57: {  	s30 =	simm.s32 $0xE0;
	s31 =	simm.s32 $0x1C0;
	v15 =	vld.idx.msk [tilespmem:v15+s2+$0x0], $0xffff  }
0x58: {  	s11 =	sand.u32 $0x3F00, s31;
	s4 =	sand.u32 $0x60, s30;
	v22 =	vld.idx.msk [tilespmem:v22+s2+$0x0], $0xffff  }
0x59: {  	v19 =	vadd.s32 $0x2800, v19;
	s4 =	sor.u32 s4, s11;
	v61 =	vld.idx.msk [tilespmem:v13+s2+$0x0], $0xffff  }
0x5a: {  	v23 =	vld [tilespmem:s4+$0x5000]  }
0x5b: {  	v20 =	vadd.s32 $0x2800, v20;
	v25 =	vld [tilespmem:s4+$0x5080]  }
0x5c: {  	s22 =	simm.s32 $0x1E0;
	s11 =	simm.s32 $0xF0;
	v36 =	vld.idx.msk [tilespmem:v36+s2+$0x0], $0xffff  }
0x5d: {  	s10 =	sand.u32 $0x3F00, s22;
	v27 =	vadd.s32 $0x2800, v27;
	s4 =	sand.u32 $0x70, s11;
	v37 =	vld.idx.msk [tilespmem:v37+s2+$0x0], $0xffff  }
0x5e: {  	s4 =	sor.u32 s4, s10;
	v19 =	vld.idx.msk [tilespmem:v19+s2+$0x0], $0xffff  }
0x5f: {  	v28 =	vld [tilespmem:s4+$0x5080]  }
0x60: {  	v18 =	vadd.s32 $0x2800, v18;
	v20 =	vld.idx.msk [tilespmem:v20+s2+$0x0], $0xffff  }
0x61: {  	v31 =	vld [tilespmem:s4+$0x5000]  }
0x62: {  	v27 =	vld.idx.msk [tilespmem:v27+s2+$0x0], $0xffff  }
0x63: {  	s24 =	simm.s32 $0x220;
	s23 =	simm.s32 $0x110;
	v59 =	vld.idx.msk [tilespmem:v11+s2+$0x0], $0xffff  }
0x64: {  	v5 =	vadd.s32 $0x2800, v24;
	s11 =	sand.u32 $0x3F00, s24;
	s10 =	sand.u32 $0x50, s23;
	v11 =	vadd.s32 $0x2800, v14;
	v14 =	vld [tilespmem:s20+$0x0]  }
0x65: {  	s10 =	sor.u32 s10, s11;
	v18 =	vld.idx.msk [tilespmem:v18+s2+$0x0], $0xffff  }
0x66: {  	v29 =	vld [tilespmem:s10+$0x5000]  }
0x67: {  	v32 =	vld [tilespmem:s10+$0x5080]  }
0x68: {  	v58 =	vld.idx.msk [tilespmem:v8+s2+$0x0], $0xffff;
	v28 =	vadd.s32 $0x2800, v28  }
0x69: {  	v8 =	vld.idx.msk [tilespmem:v5+s2+$0x0], $0xffff  }
0x6a: {  	v5 =	vld.idx.msk [tilespmem:v9+s2+$0x0], $0xffff  }
0x6b: {  	v13 =	vadd.f32 v15, v34;
	v31 =	vld.idx.msk [tilespmem:v31+s2+$0x0], $0xffff  }
0x6c: {  	s16 =	simm.s32 $0xA0A0;
	s26 =	sand.u32 $0xF80, s13;
	v17 =	vadd.f32 v17, v33;
	v9 =	vadd.s32 $0x2800, v25;
	v14 =	vld.idx.msk [tilespmem:v14+s2+$0x0], $0xffff  }
0x6d: {  	s0 =	sor.u32 $0xA000, s26;
	[tilespmem:s16+$0xFFFFFFD0] =	vst v13;
	v13 =	vadd.f32 v20, v36;
	v15 =	vld.idx.msk [tilespmem:v28+s2+$0x0], $0xffff  }
0x6e: {  	s29 =	sor.u32 s18, s0;
	[tilespmem:s16+$0x0] =	vst v17;
	v11 =	vld.idx.msk [tilespmem:v11+s2+$0x0], $0xffff  }
0x6f: {  	[tilespmem:s29+$0x0] =	vst v13;
	v13 =	vadd.f32 v35, v26;
	v17 =	vadd.f32 v18, v58;
	v18 =	vld.idx.msk [tilespmem:v60+s2+$0x0], $0xffff  }
0x70: {  	v23 =	vld.idx.msk [tilespmem:v23+s2+$0x0], $0xffff  }
0x71: {  	v63 =	vadd.s32 $0x2800, v30;
	s28 =	sor.u32 s17, s0;
	v38 =	vld.idx.msk [tilespmem:v9+s2+$0x0], $0xffff;
	[tilespmem:s16+$0x10] =	vst v13;
	v14 =	vadd.f32 v19, v14  }
0x72: {  	s0 =	sor.u32 s14, s0;
	[tilespmem:s28+$0x0] =	vst v17;
	v17 =	vld.idx.msk [tilespmem:v7+s2+$0x0], $0xffff;
	v7 =	vadd.s32 $0x2800, v32;
	v15 =	vadd.f32 v15, v31  }
0x73: {  	v9 =	vld.idx.msk [tilespmem:v29+s2+$0x0], $0xffff;
	v19 =	vadd.f32 v27, v37;
	[tilespmem:s0+$0x0] =	vst v14  }
0x74: {  	s31 =	simm.s32 $0x100;
	v18 =	vadd.f32 v59, v18;
	v14 =	vld.idx.msk [tilespmem:v21+s2+$0x0], $0xffff;
	[tilespmem:s16+$0x50] =	vst v15;
	v15 =	vadd.s32 $0x2800, v3  }
0x75: {  	s1 =	sand.u32 $0x1F80, s31;
	s30 =	simm.s32 $0x80;
	v13 =	vld.idx.msk [tilespmem:v39+s2+$0x0], $0xffff;
	[tilespmem:s16+$0xFFFFFF60] =	vst v19;
	v19 =	vadd.f32 v61, v12  }
0x76: {  	s19 =	sor.u32 s15, s1;
	v16 =	vadd.f32 v38, v23;
	s0 =	sand.u32 $0x1F80, s30;
	v12 =	vld.idx.msk [tilespmem:v63+s2+$0x0], $0xffff;
	[tilespmem:s16+$0xFFFFFFC0] =	vst v18  }
0x77: {  	s14 =	simm.s32 $0xA1E0;
	v7 =	vld.idx.msk [tilespmem:v7+s2+$0x0], $0xffff;
	s22 =	sor.u32 s15, s0;
	s15 =	simm.s32 $0x4E0;
	v3 =	vadd.f32 v10, v17;
	v10 =	vadd.f32 v22, v62;
	[tilespmem:s16+$0x80] =	vst v19  }
.LBB2_6:
0x78: {  	s0 =	sadd.s32 $0xFFFFFE20, s15  }
0x79: {  	s1 =	sadd.s32 $0xFFFFFEC0, s15;
	v15 =	vld.idx.msk [tilespmem:v15+s2+$0x0], $0xffff;
	v8 =	vadd.f32 v8, v14;
	[tilespmem:s16+$0x40] =	vst v16;
	s17 =	smov.u32 s13;
	s13 =	sadd.s32 $0x140, s13  }
0x7a: {  	s4 =	sadd.s32 $0x180, s17;
	s10 =	sadd.s32 $0x1E0, s17;
	s18 =	sadd.s32 $0x210, s17;
	v0 =	vld.idx.msk [tilespmem:v0+s2+$0x0], $0xffff  }
0x7b: {  	s11 =	sadd.s32 $0xFFFFFDA0, s15;
	v11 =	vadd.f32 v11, v13;
	s0 =	sand.u32 $0x3F00, s0;
	s21 =	sadd.s32 $0x260, s17;
	[tilespmem:s16+$0x30] =	vst v10  }
0x7c: {  	s20 =	sadd.s32 $0xFFFFFF40, s15;
	v7 =	vadd.f32 v7, v9;
	s23 =	sadd.s32 $0x1D0, s17;
	s1 =	sand.u32 $0x3F00, s1  }
0x7d: {  	s25 =	sadd.s32 $0xFFFFFE80, s15;
	v5 =	vadd.f32 v12, v5;
	s24 =	sadd.s32 $0x1B0, s17;
	s20 =	sand.u32 $0x3F00, s20;
	[tilespmem:s16+$0x20] =	vst v8  }
0x7e: {  	s28 =	sadd.s32 $0xFFFFFE40, s15;
	s29 =	sand.u32 $0x3F00, s15;
	v4 =	vadd.f32 v6, v4;
	s26 =	sadd.s32 $0x190, s17;
	[tilespmem:s22+$0xA000] =	vst v11  }
0x7f: {  	s22 =	sand.u32 $0x50, s26;
	s26 =	sand.u32 $0x3F00, s28;
	s28 =	sadd.s32 $0x270, s17;
	v1 =	vadd.f32 v15, v1;
	[tilespmem:s19+$0xA000] =	vst v5  }
0x80: {  	s4 =	sand.u32 $0x40, s4;
	s22 =	sor.u32 s22, s26;
	s26 =	sadd.s32 $0x1A0, s17;
	v0 =	vadd.f32 v2, v0;
	[tilespmem:s16+$0xFFFFFFF0] =	vst v3  }
0x81: {  	s0 =	sor.u32 s4, s0;
	s4 =	sand.u32 $0x70, s24;
	s19 =	sadd.s32 $0xFFFFFEA0, s15;
	v2 =	vld [tilespmem:s22+$0x5080];
	[tilespmem:s16+$0x90] =	vst v4  }
0x82: {  	s25 =	sand.u32 $0x3F00, s25;
	s24 =	sand.u32 $0x70, s28;
	s19 =	sand.u32 $0x3F00, s19;
	v3 =	vld [tilespmem:s0+$0x5080];
	[tilespmem:s16+$0xFFFFFFB0] =	vst v0  }
0x83: {  	s10 =	sand.u32 $0x60, s10;
	s28 =	sadd.s32 $0xFFFFFFE0, s15;
	v0 =	vld [tilespmem:s22+$0x5000];
	s22 =	sadd.s32 $0xFFFFFEE0, s15;
	[tilespmem:s16+$0x70] =	vst v7  }
0x84: {  	v8 =	vld [tilespmem:s0+$0x5000];
	s0 =	sand.u32 $0x50, s23;
	s22 =	sand.u32 $0x3F00, s22;
	s23 =	sor.u32 s24, s29;
	[tilespmem:s16+$0xFFFFFFA0] =	vst v1  }
0x85: {  	s11 =	sand.u32 $0x1F00, s11;
	s29 =	sadd.s32 $0xFFFFFE60, s15;
	s16 =	sor.u32 s10, s22;
	v6 =	vld [tilespmem:s23+$0x5080]  }
0x86: {  	s21 =	sand.u32 $0x60, s21;
	s10 =	sadd.s32 $0x1F0, s17;
	s22 =	sadd.s32 $0xFFFFFF00, s15;
	v5 =	vld [tilespmem:s16+$0x5000]  }
0x87: {  	s0 =	sor.u32 s0, s1;
	s1 =	sand.u32 $0x70, s10;
	s10 =	sand.u32 $0x3F00, s22;
	v4 =	vld [tilespmem:s23+$0x5000]  }
0x88: {  	s11 =	sadd.s32 $0x5000, s11;
	s24 =	sor.u32 s1, s10;
	s1 =	sand.u32 $0x3F00, s28;
	v9 =	vld [tilespmem:s0+$0x5080]  }
0x89: {  	s22 =	sadd.s32 $0x200, s17;
	s10 =	sand.u32 $0x60, s26;
	s23 =	sadd.s32 $0xFFFFFF20, s15;
	v11 =	vld [tilespmem:s24+$0x5000]  }
0x8a: {  	s4 =	sor.u32 s4, s25;
	v7 =	vld [tilespmem:s0+$0x5000];
	s0 =	sand.u32 $0x40, s22;
	s22 =	sand.u32 $0x3F00, s23  }
0x8b: {  	s1 =	sor.u32 s21, s1;
	v16 =	vld [tilespmem:s4+$0x5000];
	s30 =	sor.u32 s0, s22;
	s0 =	sand.u32 $0x50, s18  }
0x8c: {  	s18 =	sadd.s32 $0x220, s17;
	v1 =	vld.idx.msk [tilespmem:v8+s2+$0x0], $0xffff;
	s0 =	sor.u32 s0, s20;
	s20 =	sadd.s32 $0xFFFFFF60, s15  }
0x8d: {  	s21 =	sand.u32 $0x3F00, s29;
	s22 =	sand.u32 $0x60, s18;
	s20 =	sand.u32 $0x3F00, s20;
	v10 =	vld [tilespmem:s1+$0x5000]  }
0x8e: {  	s23 =	sor.u32 s10, s21;
	s18 =	sand.u32 $0x40, s13;
	s10 =	sor.u32 s22, s20;
	v14 =	vld [tilespmem:s1+$0x5080]  }
0x8f: {  	s22 =	sor.u32 $0x10, s18;
	s1 =	sadd.s32 $0x230, s17;
	s20 =	sadd.s32 $0xFFFFFF80, s15;
	v8 =	vld [tilespmem:s23+$0x5080]  }
0x90: {  	s5 =	sor.u32 s22, s11;
	s1 =	sand.u32 $0x70, s1;
	v17 =	vld [tilespmem:s4+$0x5080];
	s4 =	sand.u32 $0x3F00, s20  }
0x91: {  	s21 =	sor.u32 $0x20, s18;
	v9 =	vadd.s32 $0x2800, v9;
	s20 =	sor.u32 $0x30, s18;
	v13 =	vld [tilespmem:s0+$0x5000];
	s31 =	sor.u32 s1, s4  }
0x92: {  	s26 =	sor.u32 s18, s11;
	s29 =	sor.u32 s21, s11;
	s28 =	sor.u32 s20, s11;
	v15 =	vld [tilespmem:s16+$0x5080]  }
0x93: {  	p1 =	slt.u32 s13, $0x8C0;
	s25 =	sand.u32 $0xF80, s13;
	v2 =	vadd.s32 $0x2800, v2;
	s1 =	sadd.s32 $0xFFFFFFA0, s15;
	v18 =	vld [tilespmem:s5+$0x80]  }
0x94: {  	s1 =	sand.u32 $0x3F00, s1;
	s16 =	smov.u32 s14;
	v19 =	vld [tilespmem:s28+$0x80]  }
0x95: {  	v20 =	vld [tilespmem:s29+$0x80]  }
0x96: {  	v12 =	vld.idx.msk [tilespmem:v9+s2+$0x0], $0xffff  }
0x97: {  	s4 =	sadd.s32 $0x250, s17;
	v9 =	vld [tilespmem:s5+$0x0];
	v21 =	vadd.s32 $0x2800, v15;
	s5 =	sadd.s32 $0xFFFFFFC0, s15  }
0x98: {  	s4 =	sand.u32 $0x50, s4;
	v2 =	vld.idx.msk [tilespmem:v2+s2+$0x0], $0xffff;
	s5 =	sand.u32 $0x3F00, s5  }
0x99: {  	v15 =	vld [tilespmem:s30+$0x5000];
	s4 =	sor.u32 s4, s5  }
0x9a: {  	v22 =	vld [tilespmem:s0+$0x5080]  }
0x9b: {  	v19 =	vadd.s32 $0x2800, v19;
	v23 =	vld [tilespmem:s10+$0x5000]  }
0x9c: {  	s0 =	sor.u32 s18, s1;
	v24 =	vld [tilespmem:s30+$0x5080]  }
0x9d: {  	v25 =	vld [tilespmem:s10+$0x5080]  }
0x9e: {  	v26 =	vld.idx.msk [tilespmem:v11+s2+$0x0], $0xffff  }
0x9f: {  	v11 =	vld [tilespmem:s0+$0x5000]  }
0xa0: {  	v27 =	vld [tilespmem:s26+$0x80]  }
0xa1: {  	v20 =	vadd.s32 $0x2800, v20;
	v21 =	vld.idx.msk [tilespmem:v21+s2+$0x0], $0xffff  }
0xa2: {  	v19 =	vld.idx.msk [tilespmem:v19+s2+$0x0], $0xffff  }
0xa3: {  	v28 =	vld [tilespmem:s31+$0x5080]  }
0xa4: {  	v17 =	vadd.s32 $0x2800, v17;
	v23 =	vld.idx.msk [tilespmem:v23+s2+$0x0], $0xffff  }
0xa5: {  	v24 =	vadd.s32 $0x2800, v24;
	v29 =	vld [tilespmem:s4+$0x5000]  }
0xa6: {  	v20 =	vld.idx.msk [tilespmem:v20+s2+$0x0], $0xffff  }
0xa7: {  	v22 =	vadd.s32 $0x2800, v22;
	v30 =	vld [tilespmem:s0+$0x5080]  }
0xa8: {  	v27 =	vadd.s32 $0x2800, v27;
	v31 =	vld [tilespmem:s31+$0x5000]  }
0xa9: {  	v17 =	vld.idx.msk [tilespmem:v17+s2+$0x0], $0xffff  }
0xaa: {  	v32 =	vld [tilespmem:s4+$0x5080]  }
0xab: {  	v33 =	vld.idx.msk [tilespmem:v5+s2+$0x0], $0xffff  }
0xac: {  	v22 =	vld.idx.msk [tilespmem:v22+s2+$0x0], $0xffff  }
0xad: {  	v27 =	vld.idx.msk [tilespmem:v27+s2+$0x0], $0xffff  }
0xae: {  	v34 =	vld.idx.msk [tilespmem:v9+s2+$0x0], $0xffff  }
0xaf: {  	v9 =	vld.idx.msk [tilespmem:v16+s2+$0x0], $0xffff  }
0xb0: {  	s0 =	sor.u32 s18, s19;
	v16 =	vld.idx.msk [tilespmem:v31+s2+$0x0], $0xffff  }
0xb1: {  	v31 =	vadd.s32 $0x2800, v8;
	v35 =	vld [tilespmem:s0+$0x5080]  }
0xb2: {  	v36 =	vld [tilespmem:s24+$0x5080]  }
0xb3: {  	v8 =	vld.idx.msk [tilespmem:v24+s2+$0x0], $0xffff  }
0xb4: {  	v18 =	vadd.s32 $0x2800, v18;
	v5 =	vld.idx.msk [tilespmem:v11+s2+$0x0], $0xffff  }
0xb5: {  	v9 =	vadd.f32 v17, v9;
	v11 =	vadd.f32 v21, v33;
	v17 =	vadd.s32 $0x2800, v25;
	v24 =	vld [tilespmem:s29+$0x0]  }
0xb6: {  	v21 =	vld.idx.msk [tilespmem:v31+s2+$0x0], $0xffff;
	v25 =	vadd.s32 $0x2800, v35  }
0xb7: {  	v31 =	vld [tilespmem:s28+$0x0];
	[tilespmem:s14+$0x0] =	vst v11  }
0xb8: {  	v33 =	vld [tilespmem:s26+$0x0];
	[tilespmem:s14+$0xFFFFFFD0] =	vst v9  }
0xb9: {  	v18 =	vld.idx.msk [tilespmem:v18+s2+$0x0], $0xffff  }
0xba: {  	v17 =	vld.idx.msk [tilespmem:v17+s2+$0x0], $0xffff  }
0xbb: {  	v11 =	vld.idx.msk [tilespmem:v25+s2+$0x0], $0xffff  }
0xbc: {  	v9 =	vld.idx.msk [tilespmem:v29+s2+$0x0], $0xffff  }
0xbd: {  	v29 =	vadd.s32 $0x2800, v36;
	v25 =	vld [tilespmem:s23+$0x5000]  }
0xbe: {  	v14 =	vadd.s32 $0x2800, v14;
	v24 =	vld.idx.msk [tilespmem:v24+s2+$0x0], $0xffff  }
0xbf: {  	s1 =	sor.u32 $0xA000, s25;
	v28 =	vadd.s32 $0x2800, v28;
	v18 =	vadd.f32 v18, v34;
	v31 =	vld.idx.msk [tilespmem:v31+s2+$0x0], $0xffff  }
0xc0: {  	s4 =	sor.u32 s22, s1;
	v33 =	vld.idx.msk [tilespmem:v33+s2+$0x0], $0xffff  }
0xc1: {  	[tilespmem:s4+$0x0] =	vst v18;
	v18 =	vld [tilespmem:s0+$0x5000]  }
0xc2: {  	v29 =	vld.idx.msk [tilespmem:v29+s2+$0x0], $0xffff  }
0xc3: {  	v34 =	vld.idx.msk [tilespmem:v14+s2+$0x0], $0xffff  }
0xc4: {  	v14 =	vadd.f32 v20, v24;
	v20 =	vld.idx.msk [tilespmem:v28+s2+$0x0], $0xffff  }
0xc5: {  	v6 =	vadd.s32 $0x2800, v6;
	s0 =	sor.u32 s21, s1;
	v19 =	vadd.f32 v19, v31;
	v24 =	vld.idx.msk [tilespmem:v25+s2+$0x0], $0xffff  }
0xc6: {  	v25 =	vadd.f32 v27, v33;
	[tilespmem:s0+$0x0] =	vst v14;
	s0 =	sor.u32 s20, s1;
	v10 =	vld.idx.msk [tilespmem:v10+s2+$0x0], $0xffff  }
0xc7: {  	[tilespmem:s0+$0x0] =	vst v19;
	v19 =	vld.idx.msk [tilespmem:v7+s2+$0x0], $0xffff;
	v7 =	vadd.s32 $0x2800, v32  }
0xc8: {  	v27 =	vadd.s32 $0x2800, v30;
	[tilespmem:s14+$0xFFFFFF60] =	vst v25;
	v25 =	vadd.f32 v29, v26;
	v26 =	vld.idx.msk [tilespmem:v13+s2+$0x0], $0xffff  }
0xc9: {  	v14 =	vld.idx.msk [tilespmem:v15+s2+$0x0], $0xffff  }
.Ltmp3:
0xca: {  	v15 =	vadd.s32 $0x2800, v3;
	v3 =	vadd.f32 v20, v16;
	[tilespmem:s14+$0x10] =	vst v25;
	v6 =	vld.idx.msk [tilespmem:v6+s2+$0x0], $0xffff;
	(pc) =	sbr.rel @p1 .LBB2_6-.Ltmp3, $4  }
0xcb: {  	v16 =	vadd.f32 v17, v23;
	v20 =	vadd.f32 v21, v24;
	v13 =	vld.idx.msk [tilespmem:v18+s2+$0x0], $0xffff  }
0xcc: {  	s1 =	sadd.s32 $0x240, s17;
	s0 =	sadd.s32 $0x1C0, s17;
	v17 =	vadd.f32 v34, v10;
	[tilespmem:s14+$0x50] =	vst v3;
	v7 =	vld.idx.msk [tilespmem:v7+s2+$0x0], $0xffff  }
0xcd: {  	s1 =	sand.u32 $0x1F80, s1;
	s0 =	sand.u32 $0x1F80, s0;
	v3 =	vadd.f32 v12, v19;
	s14 =	sadd.s32 $0x140, s14;
	[tilespmem:s16+$0xFFFFFFC0] =	vst v20;
	v12 =	vld.idx.msk [tilespmem:v27+s2+$0x0], $0xffff  }
0xce: {  	s15 =	sadd.s32 $0x280, s15;
	s19 =	sor.u32 s18, s1;
	s22 =	sor.u32 s18, s0;
	v10 =	vadd.f32 v22, v26;
	[tilespmem:s16+$0x80] =	vst v17;
	v4 =	vld.idx.msk [tilespmem:v4+s2+$0x0], $0xffff  }
.Ltmp4:
0xcf: {  	_ = 	snop;
	(pc) =	sbr.rel .LBB2_7-.Ltmp4, $1  }
0xd0: {  	_ =	sdelay $0x3  }
.LBB2_2:
0xd1: {  	s0 =	rddreg [dreg:$0x4];
	s13 =	simm.s32 $0x80  }
0xd2: {  	s14 =	simm.s32 $0x50;
	s15 =	simm.s32 $0xA0;
	s16 =	simm.s32 $0x40  }
0xd3: {  	[tilespmem:s5], [sflag:$0x1] =	stream.linear.gather [hbm4b:s0+s2], $0x5000, $0x38;
	[tilespmem:$0xC800] =	vst v63  }
0xd4: {  	s21 =	simm.s32 $0x260;
	s14 =	sand.u32 $0x50, s14;
	_ =	swait.ge [sflag:s9], $0x5000  }
0xd5: {  	s15 =	sand.u32 $0xFF00, s15;
	s13 =	sand.u32 $0xFF00, s13;
	[sflag:s9] =	ssyncset.done $0x0  }
0xd6: {  	s16 =	sand.u32 $0x40, s16;
	s14 =	sor.u32 s14, s15;
	[sflag:s9] =	ssyncadd.s32 $0xFFFFB000  }
0xd7: {  	s22 =	simm.s32 $0x120;
	s17 =	simm.s32 $0xA0;
	s13 =	sor.u32 s16, s13;
	v2 =	vld [tilespmem:s14+$0x5080]  }
0xd8: {  	s18 =	simm.s32 $0x130;
	s23 =	simm.s32 $0x140;
	s19 =	simm.s32 $0x240;
	v3 =	vld [tilespmem:s13+$0x5080]  }
0xd9: {  	s18 =	sand.u32 $0x70, s18;
	s17 =	sand.u32 $0x60, s17;
	s15 =	sand.u32 $0xFF00, s21;
	v0 =	vld [tilespmem:s14+$0x5000]  }
0xda: {  	s24 =	sand.u32 $0xFF00, s23;
	s23 =	simm.s32 $0xC0;
	s25 =	sor.u32 s18, s15;
	v1 =	vld [tilespmem:s13+$0x5000]  }
0xdb: {  	s16 =	sand.u32 $0xFF00, s22;
	s28 =	sor.u32 s17, s24;
	s22 =	simm.s32 $0x60;
	v6 =	vld [tilespmem:s25+$0x5080]  }
0xdc: {  	s21 =	sand.u32 $0xFF00, s19;
	s19 =	sand.u32 $0xFF00, s23;
	s17 =	sand.u32 $0x60, s22;
	v5 =	vld [tilespmem:s28+$0x5000]  }
0xdd: {  	s19 =	sor.u32 s17, s19;
	v4 =	vld [tilespmem:s25+$0x5000]  }
0xde: {  	s26 =	simm.s32 $0x90;
	v14 =	vld [tilespmem:s19+$0x5080]  }
0xdf: {  	s30 =	simm.s32 $0xB0;
	s31 =	simm.s32 $0x160;
	s29 =	sand.u32 $0x50, s26;
	v17 =	vld [tilespmem:s28+$0x5080]  }
0xe0: {  	s0 =	sand.u32 $0xFF00, s31;
	s15 =	sand.u32 $0x70, s30;
	s13 =	sor.u32 s29, s16;
	v60 =	vld [tilespmem:s19+$0x5000]  }
0xe1: {  	s11 =	simm.s32 $0x120;
	s16 =	sor.u32 s15, s0;
	v8 =	vld [tilespmem:s13+$0x5080]  }
0xe2: {  	s20 =	sand.u32 $0x60, s11;
	v9 =	vld [tilespmem:s16+$0x5000]  }
0xe3: {  	s15 =	sor.u32 s20, s21;
	v7 =	vld [tilespmem:s13+$0x5000]  }
0xe4: {  	s1 =	simm.s32 $0x70;
	s4 =	simm.s32 $0xE0;
	v12 =	vld [tilespmem:s15+$0x5000]  }
0xe5: {  	s10 =	sand.u32 $0xFF00, s4;
	s24 =	simm.s32 $0x0;
	s14 =	sand.u32 $0x70, s1;
	v13 =	vld [tilespmem:s15+$0x5080]  }
0xe6: {  	s20 =	simm.s32 $0xD0;
	s21 =	simm.s32 $0x1A0;
	s14 =	sor.u32 s14, s10;
	v35 =	vld [tilespmem:s16+$0x5080]  }
0xe7: {  	s13 =	simm.s32 $0x0;
	s25 =	sand.u32 $0xFF00, s21;
	s20 =	sand.u32 $0x50, s20;
	v11 =	vld [tilespmem:s14+$0x5000]  }
0xe8: {  	s26 =	sand.u32 $0x7F00, s24;
	s22 =	sor.u32 s20, s25;
	s15 =	sand.u32 $0x40, s13;
	v15 =	vld [tilespmem:s14+$0x5080]  }
0xe9: {  	s23 =	sadd.s32 $0x5000, s26;
	s17 =	sor.u32 $0x10, s15;
	v16 =	vld [tilespmem:s22+$0x5000]  }
0xea: {  	s26 =	simm.s32 $0x180;
	s14 =	sor.u32 $0x30, s15;
	v22 =	vld [tilespmem:s22+$0x5080];
	s24 =	sor.u32 s17, s23  }
0xeb: {  	s25 =	simm.s32 $0xC0;
	s18 =	sor.u32 $0x20, s15;
	s28 =	sor.u32 s14, s23;
	v18 =	vld [tilespmem:s24+$0x80]  }
0xec: {  	s26 =	sand.u32 $0xFF00, s26;
	s25 =	sand.u32 $0x40, s25;
	s21 =	sor.u32 s18, s23;
	v19 =	vld [tilespmem:s28+$0x80]  }
0xed: {  	s29 =	sor.u32 s25, s26;
	v20 =	vld [tilespmem:s21+$0x80]  }
0xee: {  	s0 =	simm.s32 $0x200;
	v21 =	vld [tilespmem:s29+$0x5000]  }
0xef: {  	s22 =	sand.u32 $0xFF00, s0;
	s23 =	sor.u32 s15, s23;
	v24 =	vld [tilespmem:s29+$0x5080]  }
0xf0: {  	s22 =	sor.u32 s15, s22;
	v27 =	vld [tilespmem:s23+$0x80]  }
0xf1: {  	s31 =	simm.s32 $0x1C0;
	s30 =	simm.s32 $0xE0;
	v30 =	vld [tilespmem:s22+$0x5080]  }
0xf2: {  	s25 =	sand.u32 $0x60, s30;
	s26 =	sand.u32 $0xFF00, s31;
	v36 =	vld [tilespmem:s21+$0x0]  }
0xf3: {  	s25 =	sor.u32 s25, s26;
	v37 =	vld [tilespmem:s23+$0x0]  }
0xf4: {  	v23 =	vld [tilespmem:s25+$0x5000]  }
0xf5: {  	v25 =	vld [tilespmem:s25+$0x5080]  }
0xf6: {  	v1 =	vld.idx.msk [tilespmem:v1+s2+$0x0], $0xffff  }
0xf7: {  	v2 =	vadd.s32 $0x2800, v2;
	v33 =	vld.idx.msk [tilespmem:v5+s2+$0x0], $0xffff  }
0xf8: {  	v17 =	vadd.s32 $0x2800, v17;
	v4 =	vld.idx.msk [tilespmem:v4+s2+$0x0], $0xffff  }
0xf9: {  	v26 =	vld.idx.msk [tilespmem:v9+s2+$0x0], $0xffff  }
0xfa: {  	v6 =	vadd.s32 $0x2800, v6;
	v9 =	vld [tilespmem:s22+$0x5000]  }
0xfb: {  	v8 =	vadd.s32 $0x2800, v8;
	v12 =	vld.idx.msk [tilespmem:v12+s2+$0x0], $0xffff  }
0xfc: {  	v2 =	vld.idx.msk [tilespmem:v2+s2+$0x0], $0xffff  }
0xfd: {  	v35 =	vadd.s32 $0x2800, v35;
	v17 =	vld.idx.msk [tilespmem:v17+s2+$0x0], $0xffff  }
0xfe: {  	v13 =	vadd.s32 $0x2800, v13;
	v34 =	vld.idx.msk [tilespmem:v11+s2+$0x0], $0xffff  }
0xff: {  	v6 =	vld.idx.msk [tilespmem:v6+s2+$0x0], $0xffff  }
0x100: {  	v15 =	vadd.s32 $0x2800, v15;
	v10 =	vld.idx.msk [tilespmem:v8+s2+$0x0], $0xffff  }
0x101: {  	v8 =	vld [tilespmem:s24+$0x0]  }
0x102: {  	v35 =	vld.idx.msk [tilespmem:v35+s2+$0x0], $0xffff  }
0x103: {  	s4 =	simm.s32 $0x1E0;
	s1 =	simm.s32 $0xF0;
	v22 =	vadd.s32 $0x2800, v22;
	v61 =	vld.idx.msk [tilespmem:v13+s2+$0x0], $0xffff  }
0x104: {  	s25 =	sand.u32 $0xFF00, s4;
	s24 =	sand.u32 $0x70, s1;
	v62 =	vld.idx.msk [tilespmem:v16+s2+$0x0], $0xffff  }
0x105: {  	s24 =	sor.u32 s24, s25;
	v15 =	vld.idx.msk [tilespmem:v15+s2+$0x0], $0xffff  }
0x106: {  	s11 =	simm.s32 $0x220;
	s10 =	simm.s32 $0x110;
	v28 =	vld [tilespmem:s24+$0x5080]  }
0x107: {  	s26 =	sand.u32 $0xFF00, s11;
	s25 =	sand.u32 $0x50, s10;
	v31 =	vld [tilespmem:s24+$0x5000]  }
0x108: {  	s25 =	sor.u32 s25, s26;
	v22 =	vld.idx.msk [tilespmem:v22+s2+$0x0], $0xffff  }
0x109: {  	v29 =	vld [tilespmem:s25+$0x5000]  }
0x10a: {  	v19 =	vadd.s32 $0x2800, v19;
	v32 =	vld [tilespmem:s25+$0x5080];
	s25 =	simm.s32 $0x100  }
0x10b: {  	v20 =	vadd.s32 $0x2800, v20;
	v36 =	vld.idx.msk [tilespmem:v36+s2+$0x0], $0xffff;
	s22 =	sand.u32 $0xFF00, s25  }
0x10c: {  	v11 =	vadd.s32 $0x2800, v14;
	v37 =	vld.idx.msk [tilespmem:v37+s2+$0x0], $0xffff;
	s22 =	sor.u32 s15, s22  }
0x10d: {  	v14 =	vld [tilespmem:s22+$0x5080]  }
0x10e: {  	v18 =	vadd.s32 $0x2800, v18;
	v23 =	vld.idx.msk [tilespmem:v23+s2+$0x0], $0xffff  }
0x10f: {  	v19 =	vld.idx.msk [tilespmem:v19+s2+$0x0], $0xffff  }
0x110: {  	v20 =	vld.idx.msk [tilespmem:v20+s2+$0x0], $0xffff  }
0x111: {  	v5 =	vadd.s32 $0x2800, v24;
	v59 =	vld.idx.msk [tilespmem:v11+s2+$0x0], $0xffff  }
0x112: {  	v11 =	vadd.s32 $0x2800, v14;
	v14 =	vld [tilespmem:s28+$0x0]  }
0x113: {  	v18 =	vld.idx.msk [tilespmem:v18+s2+$0x0], $0xffff  }
0x114: {  	v39 =	vld [tilespmem:s22+$0x5000];
	v28 =	vadd.s32 $0x2800, v28  }
0x115: {  	v58 =	vld.idx.msk [tilespmem:v8+s2+$0x0], $0xffff  }
0x116: {  	v27 =	vadd.s32 $0x2800, v27;
	v8 =	vld.idx.msk [tilespmem:v5+s2+$0x0], $0xffff  }
0x117: {  	v5 =	vld.idx.msk [tilespmem:v9+s2+$0x0], $0xffff  }
0x118: {  	v9 =	vadd.s32 $0x2800, v25;
	v31 =	vld.idx.msk [tilespmem:v31+s2+$0x0], $0xffff  }
0x119: {  	v13 =	vadd.f32 v15, v34;
	v15 =	vld.idx.msk [tilespmem:v28+s2+$0x0], $0xffff  }
0x11a: {  	s16 =	simm.s32 $0xA0A0;
	s26 =	sand.u32 $0x3F80, s13;
	v17 =	vadd.f32 v17, v33;
	v14 =	vld.idx.msk [tilespmem:v14+s2+$0x0], $0xffff  }
0x11b: {  	s19 =	sadd.s32 $0xA000, s26;
	v27 =	vld.idx.msk [tilespmem:v27+s2+$0x0], $0xffff;
	[tilespmem:s16+$0xFFFFFFD0] =	vst v13;
	v13 =	vadd.f32 v20, v36  }
0x11c: {  	[tilespmem:s16+$0x0] =	vst v17;
	s28 =	sor.u32 s18, s19;
	v17 =	vadd.f32 v18, v58;
	v18 =	vld.idx.msk [tilespmem:v60+s2+$0x0], $0xffff  }
0x11d: {  	s17 =	sor.u32 s17, s19;
	[tilespmem:s28+$0x0] =	vst v13;
	v13 =	vadd.f32 v35, v26;
	v38 =	vld.idx.msk [tilespmem:v9+s2+$0x0], $0xffff  }
0x11e: {  	[tilespmem:s17+$0x0] =	vst v17;
	v17 =	vld.idx.msk [tilespmem:v7+s2+$0x0], $0xffff;
	v7 =	vadd.s32 $0x2800, v32;
	v15 =	vadd.f32 v15, v31  }
0x11f: {  	v63 =	vadd.s32 $0x2800, v30;
	v9 =	vld.idx.msk [tilespmem:v29+s2+$0x0], $0xffff;
	[tilespmem:s16+$0x10] =	vst v13;
	v14 =	vadd.f32 v19, v14  }
0x120: {  	s14 =	sor.u32 s14, s19;
	v13 =	vld.idx.msk [tilespmem:v39+s2+$0x0], $0xffff;
	[tilespmem:s16+$0x50] =	vst v15;
	v19 =	vadd.f32 v27, v37  }
0x121: {  	s29 =	simm.s32 $0x80;
	v18 =	vadd.f32 v59, v18;
	v15 =	vadd.s32 $0x2800, v3;
	[tilespmem:s14+$0x0] =	vst v14;
	v14 =	vld.idx.msk [tilespmem:v21+s2+$0x0], $0xffff  }
0x122: {  	s30 =	simm.s32 $0x100;
	s31 =	sand.u32 $0x7F80, s29;
	v11 =	vld.idx.msk [tilespmem:v11+s2+$0x0], $0xffff;
	[tilespmem:s16+$0xFFFFFF60] =	vst v19;
	v19 =	vadd.f32 v61, v12  }
0x123: {  	s22 =	sor.u32 s15, s31;
	s17 =	sand.u32 $0x7F80, s30;
	v16 =	vadd.f32 v38, v23;
	v7 =	vld.idx.msk [tilespmem:v7+s2+$0x0], $0xffff;
	[tilespmem:s16+$0xFFFFFFC0] =	vst v18  }
0x124: {  	s19 =	sor.u32 s15, s17;
	s15 =	simm.s32 $0x4E0;
	v3 =	vadd.f32 v10, v17;
	v10 =	vadd.f32 v22, v62;
	v12 =	vld.idx.msk [tilespmem:v63+s2+$0x0], $0xffff;
	s14 =	simm.s32 $0xA1E0;
	[tilespmem:s16+$0x80] =	vst v19  }
.LBB2_3:
0x125: {  	s20 =	sadd.s32 $0xFFFFFE20, s15  }
0x126: {  	s23 =	sadd.s32 $0xFFFFFEC0, s15;
	v15 =	vld.idx.msk [tilespmem:v15+s2+$0x0], $0xffff;
	v8 =	vadd.f32 v8, v14;
	[tilespmem:s16+$0x40] =	vst v16;
	s17 =	smov.u32 s13;
	s13 =	sadd.s32 $0x140, s13  }
0x127: {  	s24 =	sadd.s32 $0x180, s17;
	s25 =	sadd.s32 $0x1E0, s17;
	s18 =	sadd.s32 $0x210, s17;
	v0 =	vld.idx.msk [tilespmem:v0+s2+$0x0], $0xffff  }
0x128: {  	s26 =	sadd.s32 $0xFFFFFDA0, s15;
	s28 =	sand.u32 $0xFF00, s20;
	s21 =	sadd.s32 $0x260, s17;
	v11 =	vadd.f32 v11, v13;
	[tilespmem:s16+$0x30] =	vst v10  }
0x129: {  	s29 =	sadd.s32 $0x1D0, s17;
	s23 =	sand.u32 $0xFF00, s23;
	s20 =	sadd.s32 $0xFFFFFF40, s15;
	v7 =	vadd.f32 v7, v9  }
0x12a: {  	s31 =	sadd.s32 $0xFFFFFE80, s15;
	s30 =	sadd.s32 $0x1B0, s17;
	s20 =	sand.u32 $0xFF00, s20;
	v5 =	vadd.f32 v12, v5;
	[tilespmem:s16+$0x20] =	vst v8  }
0x12b: {  	s0 =	sadd.s32 $0xFFFFFE40, s15;
	s10 =	sand.u32 $0xFF00, s15;
	s1 =	sadd.s32 $0x190, s17;
	v4 =	vadd.f32 v6, v4;
	[tilespmem:s22+$0xA000] =	vst v11  }
0x12c: {  	s0 =	sand.u32 $0xFF00, s0;
	s1 =	sand.u32 $0x50, s1;
	s22 =	sadd.s32 $0x270, s17;
	v1 =	vadd.f32 v15, v1;
	[tilespmem:s19+$0xA000] =	vst v5  }
0x12d: {  	s0 =	sor.u32 s1, s0;
	s1 =	sadd.s32 $0x1A0, s17;
	s19 =	sand.u32 $0x40, s24;
	v0 =	vadd.f32 v2, v0;
	[tilespmem:s16+$0xFFFFFFF0] =	vst v3  }
0x12e: {  	s24 =	sor.u32 s19, s28;
	s28 =	sand.u32 $0x70, s30;
	s19 =	sadd.s32 $0xFFFFFEA0, s15;
	v2 =	vld [tilespmem:s0+$0x5080];
	[tilespmem:s16+$0x90] =	vst v4  }
0x12f: {  	s22 =	sand.u32 $0x70, s22;
	s30 =	sand.u32 $0xFF00, s31;
	s19 =	sand.u32 $0xFF00, s19;
	v3 =	vld [tilespmem:s24+$0x5080];
	[tilespmem:s16+$0xFFFFFFB0] =	vst v0  }
0x130: {  	s31 =	sadd.s32 $0xFFFFFFE0, s15;
	v0 =	vld [tilespmem:s0+$0x5000];
	s0 =	sand.u32 $0x60, s25;
	s25 =	sadd.s32 $0xFFFFFEE0, s15;
	[tilespmem:s16+$0x70] =	vst v7  }
0x131: {  	s10 =	sor.u32 s22, s10;
	v8 =	vld [tilespmem:s24+$0x5000];
	s24 =	sand.u32 $0x50, s29;
	s25 =	sand.u32 $0xFF00, s25;
	[tilespmem:s16+$0xFFFFFFA0] =	vst v1  }
0x132: {  	s22 =	sand.u32 $0x7F00, s26;
	s26 =	sadd.s32 $0xFFFFFE60, s15;
	s16 =	sor.u32 s0, s25;
	v6 =	vld [tilespmem:s10+$0x5080]  }
0x133: {  	s21 =	sand.u32 $0x60, s21;
	s0 =	sadd.s32 $0x1F0, s17;
	s25 =	sadd.s32 $0xFFFFFF00, s15;
	v5 =	vld [tilespmem:s16+$0x5000]  }
0x134: {  	s23 =	sor.u32 s24, s23;
	s0 =	sand.u32 $0x70, s0;
	s24 =	sand.u32 $0xFF00, s25;
	v4 =	vld [tilespmem:s10+$0x5000]  }
0x135: {  	s10 =	sadd.s32 $0x5000, s22;
	s24 =	sor.u32 s0, s24;
	s0 =	sand.u32 $0xFF00, s31;
	v9 =	vld [tilespmem:s23+$0x5080]  }
0x136: {  	s1 =	sand.u32 $0x60, s1;
	s25 =	sadd.s32 $0xFFFFFF20, s15;
	s22 =	sadd.s32 $0x200, s17;
	v11 =	vld [tilespmem:s24+$0x5000]  }
0x137: {  	s28 =	sor.u32 s28, s30;
	s22 =	sand.u32 $0x40, s22;
	v7 =	vld [tilespmem:s23+$0x5000];
	s23 =	sand.u32 $0xFF00, s25  }
0x138: {  	s18 =	sand.u32 $0x50, s18;
	s0 =	sor.u32 s21, s0;
	v16 =	vld [tilespmem:s28+$0x5000];
	s30 =	sor.u32 s22, s23  }
0x139: {  	s11 =	sor.u32 s18, s20;
	s18 =	sadd.s32 $0x220, s17;
	s20 =	sadd.s32 $0xFFFFFF60, s15;
	v1 =	vld.idx.msk [tilespmem:v8+s2+$0x0], $0xffff  }
0x13a: {  	s20 =	sand.u32 $0xFF00, s20;
	s21 =	sand.u32 $0xFF00, s26;
	s22 =	sand.u32 $0x60, s18;
	v10 =	vld [tilespmem:s0+$0x5000]  }
0x13b: {  	s18 =	sand.u32 $0x40, s13;
	s23 =	sor.u32 s1, s21;
	s1 =	sor.u32 s22, s20;
	v14 =	vld [tilespmem:s0+$0x5080]  }
0x13c: {  	s22 =	sor.u32 $0x10, s18;
	s20 =	sadd.s32 $0xFFFFFF80, s15;
	s0 =	sadd.s32 $0x230, s17;
	v8 =	vld [tilespmem:s23+$0x5080]  }
0x13d: {  	s4 =	sor.u32 s22, s10;
	s25 =	sand.u32 $0xFF00, s20;
	s0 =	sand.u32 $0x70, s0;
	v17 =	vld [tilespmem:s28+$0x5080]  }
0x13e: {  	s21 =	sor.u32 $0x20, s18;
	s20 =	sor.u32 $0x30, s18;
	v9 =	vadd.s32 $0x2800, v9;
	s31 =	sor.u32 s0, s25;
	v13 =	vld [tilespmem:s11+$0x5000]  }
0x13f: {  	s26 =	sor.u32 s18, s10;
	s29 =	sor.u32 s21, s10;
	s28 =	sor.u32 s20, s10;
	v15 =	vld [tilespmem:s16+$0x5080]  }
0x140: {  	p1 =	slt.u32 s13, $0x26C0;
	v2 =	vadd.s32 $0x2800, v2;
	s25 =	sand.u32 $0x3F80, s13;
	s0 =	sadd.s32 $0xFFFFFFA0, s15;
	v18 =	vld [tilespmem:s4+$0x80]  }
0x141: {  	s0 =	sand.u32 $0xFF00, s0;
	s16 =	smov.u32 s14;
	v19 =	vld [tilespmem:s28+$0x80]  }
0x142: {  	v20 =	vld [tilespmem:s29+$0x80]  }
0x143: {  	v12 =	vld.idx.msk [tilespmem:v9+s2+$0x0], $0xffff  }
0x144: {  	s10 =	sadd.s32 $0xFFFFFFC0, s15;
	v9 =	vld [tilespmem:s4+$0x0];
	v21 =	vadd.s32 $0x2800, v15;
	s4 =	sadd.s32 $0x250, s17  }
0x145: {  	s10 =	sand.u32 $0xFF00, s10;
	v2 =	vld.idx.msk [tilespmem:v2+s2+$0x0], $0xffff;
	s4 =	sand.u32 $0x50, s4  }
0x146: {  	v15 =	vld [tilespmem:s30+$0x5000];
	s4 =	sor.u32 s4, s10  }
0x147: {  	v22 =	vld [tilespmem:s11+$0x5080]  }
0x148: {  	v19 =	vadd.s32 $0x2800, v19;
	v23 =	vld [tilespmem:s1+$0x5000]  }
0x149: {  	s0 =	sor.u32 s18, s0;
	v24 =	vld [tilespmem:s30+$0x5080]  }
0x14a: {  	v25 =	vld [tilespmem:s1+$0x5080]  }
0x14b: {  	v26 =	vld.idx.msk [tilespmem:v11+s2+$0x0], $0xffff  }
0x14c: {  	v11 =	vld [tilespmem:s0+$0x5000]  }
0x14d: {  	v27 =	vld [tilespmem:s26+$0x80]  }
0x14e: {  	v20 =	vadd.s32 $0x2800, v20;
	v21 =	vld.idx.msk [tilespmem:v21+s2+$0x0], $0xffff  }
0x14f: {  	v19 =	vld.idx.msk [tilespmem:v19+s2+$0x0], $0xffff  }
0x150: {  	v28 =	vld [tilespmem:s31+$0x5080]  }
0x151: {  	v17 =	vadd.s32 $0x2800, v17;
	v23 =	vld.idx.msk [tilespmem:v23+s2+$0x0], $0xffff  }
0x152: {  	v24 =	vadd.s32 $0x2800, v24;
	v29 =	vld [tilespmem:s4+$0x5000]  }
0x153: {  	v20 =	vld.idx.msk [tilespmem:v20+s2+$0x0], $0xffff  }
0x154: {  	v22 =	vadd.s32 $0x2800, v22;
	v30 =	vld [tilespmem:s0+$0x5080]  }
0x155: {  	v27 =	vadd.s32 $0x2800, v27;
	v31 =	vld [tilespmem:s31+$0x5000]  }
0x156: {  	v17 =	vld.idx.msk [tilespmem:v17+s2+$0x0], $0xffff  }
0x157: {  	v32 =	vld [tilespmem:s4+$0x5080]  }
0x158: {  	v33 =	vld.idx.msk [tilespmem:v5+s2+$0x0], $0xffff  }
0x159: {  	v22 =	vld.idx.msk [tilespmem:v22+s2+$0x0], $0xffff  }
0x15a: {  	v27 =	vld.idx.msk [tilespmem:v27+s2+$0x0], $0xffff  }
0x15b: {  	v34 =	vld.idx.msk [tilespmem:v9+s2+$0x0], $0xffff  }
0x15c: {  	v9 =	vld.idx.msk [tilespmem:v16+s2+$0x0], $0xffff  }
0x15d: {  	s0 =	sor.u32 s18, s19;
	v16 =	vld.idx.msk [tilespmem:v31+s2+$0x0], $0xffff  }
0x15e: {  	v31 =	vadd.s32 $0x2800, v8;
	v35 =	vld [tilespmem:s0+$0x5080]  }
0x15f: {  	v36 =	vld [tilespmem:s24+$0x5080]  }
0x160: {  	v8 =	vld.idx.msk [tilespmem:v24+s2+$0x0], $0xffff  }
0x161: {  	v18 =	vadd.s32 $0x2800, v18;
	v5 =	vld.idx.msk [tilespmem:v11+s2+$0x0], $0xffff  }
0x162: {  	v9 =	vadd.f32 v17, v9;
	v11 =	vadd.f32 v21, v33;
	v17 =	vadd.s32 $0x2800, v25;
	v24 =	vld [tilespmem:s29+$0x0]  }
0x163: {  	v21 =	vld.idx.msk [tilespmem:v31+s2+$0x0], $0xffff;
	v25 =	vadd.s32 $0x2800, v35  }
0x164: {  	v31 =	vld [tilespmem:s28+$0x0];
	[tilespmem:s14+$0x0] =	vst v11  }
0x165: {  	v33 =	vld [tilespmem:s26+$0x0];
	[tilespmem:s14+$0xFFFFFFD0] =	vst v9  }
0x166: {  	v18 =	vld.idx.msk [tilespmem:v18+s2+$0x0], $0xffff  }
0x167: {  	v17 =	vld.idx.msk [tilespmem:v17+s2+$0x0], $0xffff  }
0x168: {  	v11 =	vld.idx.msk [tilespmem:v25+s2+$0x0], $0xffff  }
0x169: {  	v9 =	vld.idx.msk [tilespmem:v29+s2+$0x0], $0xffff  }
0x16a: {  	v29 =	vadd.s32 $0x2800, v36;
	v25 =	vld [tilespmem:s23+$0x5000]  }
0x16b: {  	v14 =	vadd.s32 $0x2800, v14;
	v24 =	vld.idx.msk [tilespmem:v24+s2+$0x0], $0xffff  }
0x16c: {  	s1 =	sadd.s32 $0xA000, s25;
	v28 =	vadd.s32 $0x2800, v28;
	v18 =	vadd.f32 v18, v34;
	v31 =	vld.idx.msk [tilespmem:v31+s2+$0x0], $0xffff  }
0x16d: {  	s4 =	sor.u32 s22, s1;
	v33 =	vld.idx.msk [tilespmem:v33+s2+$0x0], $0xffff  }
0x16e: {  	[tilespmem:s4+$0x0] =	vst v18;
	v18 =	vld [tilespmem:s0+$0x5000]  }
0x16f: {  	v29 =	vld.idx.msk [tilespmem:v29+s2+$0x0], $0xffff  }
0x170: {  	v34 =	vld.idx.msk [tilespmem:v14+s2+$0x0], $0xffff  }
0x171: {  	v14 =	vadd.f32 v20, v24;
	v20 =	vld.idx.msk [tilespmem:v28+s2+$0x0], $0xffff  }
0x172: {  	v6 =	vadd.s32 $0x2800, v6;
	s0 =	sor.u32 s21, s1;
	v19 =	vadd.f32 v19, v31;
	v24 =	vld.idx.msk [tilespmem:v25+s2+$0x0], $0xffff  }
0x173: {  	v25 =	vadd.f32 v27, v33;
	[tilespmem:s0+$0x0] =	vst v14;
	s0 =	sor.u32 s20, s1;
	v10 =	vld.idx.msk [tilespmem:v10+s2+$0x0], $0xffff  }
0x174: {  	[tilespmem:s0+$0x0] =	vst v19;
	v19 =	vld.idx.msk [tilespmem:v7+s2+$0x0], $0xffff;
	v7 =	vadd.s32 $0x2800, v32  }
0x175: {  	v27 =	vadd.s32 $0x2800, v30;
	[tilespmem:s14+$0xFFFFFF60] =	vst v25;
	v25 =	vadd.f32 v29, v26;
	v26 =	vld.idx.msk [tilespmem:v13+s2+$0x0], $0xffff  }
0x176: {  	v14 =	vld.idx.msk [tilespmem:v15+s2+$0x0], $0xffff  }
.Ltmp5:
0x177: {  	v15 =	vadd.s32 $0x2800, v3;
	v3 =	vadd.f32 v20, v16;
	[tilespmem:s14+$0x10] =	vst v25;
	v6 =	vld.idx.msk [tilespmem:v6+s2+$0x0], $0xffff;
	(pc) =	sbr.rel @p1 .LBB2_3-.Ltmp5, $4  }
0x178: {  	v16 =	vadd.f32 v17, v23;
	v20 =	vadd.f32 v21, v24;
	v13 =	vld.idx.msk [tilespmem:v18+s2+$0x0], $0xffff  }
0x179: {  	s1 =	sadd.s32 $0x240, s17;
	s0 =	sadd.s32 $0x1C0, s17;
	v17 =	vadd.f32 v34, v10;
	[tilespmem:s14+$0x50] =	vst v3;
	v7 =	vld.idx.msk [tilespmem:v7+s2+$0x0], $0xffff  }
0x17a: {  	s1 =	sand.u32 $0x7F80, s1;
	s0 =	sand.u32 $0x7F80, s0;
	v3 =	vadd.f32 v12, v19;
	s14 =	sadd.s32 $0x140, s14;
	[tilespmem:s16+$0xFFFFFFC0] =	vst v20;
	v12 =	vld.idx.msk [tilespmem:v27+s2+$0x0], $0xffff  }
0x17b: {  	s15 =	sadd.s32 $0x280, s15;
	s19 =	sor.u32 s18, s1;
	s22 =	sor.u32 s18, s0;
	v10 =	vadd.f32 v22, v26;
	[tilespmem:s16+$0x80] =	vst v17;
	v4 =	vld.idx.msk [tilespmem:v4+s2+$0x0], $0xffff  }
0x17c: {  	_ =	sdelay $0x2  }
0x17d: {  	[tilespmem:s16+$0x40] =	vst v16  }
0x17e: {  	v8 =	vadd.f32 v8, v14;
	v0 =	vld.idx.msk [tilespmem:v0+s2+$0x0], $0xffff;
	[tilespmem:s16+$0xFFFFFFF0] =	vst v3  }
0x17f: {  	v62 =	vld.idx.msk [tilespmem:v15+s2+$0x0], $0xffff;
	v11 =	vadd.f32 v11, v13;
	[tilespmem:s16+$0x30] =	vst v10  }
0x180: {  	[tilespmem:s16+$0x20] =	vst v8;
	v63 =	vadd.f32 v7, v9  }
0x181: {  	v5 =	vadd.f32 v12, v5;
	[tilespmem:s22+$0xA000] =	vst v11  }
0x182: {  	v4 =	vadd.f32 v6, v4;
	[tilespmem:s16+$0x70] =	vst v63  }
0x183: {  	[tilespmem:s19+$0xA000] =	vst v5;
	v0 =	vadd.f32 v2, v0  }
0x184: {  	v1 =	vadd.f32 v62, v1;
	[tilespmem:s16+$0x90] =	vst v4  }
0x185: {  	[tilespmem:s16+$0xFFFFFFB0] =	vst v0  }
0x186: {  	[tilespmem:s16+$0xFFFFFFA0] =	vst v1  }
.Ltmp6:
0x187: {  	s1 =	simm.s32 $0xA000;
	s0 =	rddreg [dreg:$0x5];
	(pc) =	sbr.rel .LBB2_8-.Ltmp6, $4  }
0x188: {  	[hbm4b:s0+s2] =	stream.linear.scatter [tilespmem:s1], [sflag:$0x1], $0x2800, $0x38;
	[tilespmem:$0xC800] =	vst v63  }
0x189: {  	_ =	swait.ge [sflag:s9], $0x2800  }
0x18a: {  	[sflag:s9] =	ssyncset.done $0x0  }
0x18b: {  	[sflag:s9] =	ssyncadd.s32 $0xFFFFD800  }
.LBB2_9:
0x18c: {  	_ =	sfence.sel $0x180000  }
0x18d: {  	[bflag:$0x0] =	sbarrier.arrive $0xFFFF  }
0x18e: {  	_ =	strace $0x90000047  }
0x18f: {  	s0 =	stileid.u32;
	[bflag:$0x2] =	sbarrier.arrive $0xFFFF  }
0x190: {  	p0 =	sne.s32 s0, $0x0;
	s0 =	rddreg [dreg:$0x3]  }
0x191: {  	s0 =	sadd.s32 @!p0 $0x100000, s0  }
0x192: {  	[sflag:s0] =	ssyncadd.tile.s32 @!p0 $0x1;
	_ =	shalt  }
.Lfunc_end2:
_tile_overlayer_lowered:
.L_overlay_start_2:
0x193: {  	(tag) =	ssettag $0x2  }
0x194: {  	s0 =	rddreg [dreg:$0x0];
	s2 =	stileid.u32  }
0x195: {  	s1 =	rddreg [dreg:$0x1];
	p0 =	sne.s32 s2, $0x0  }
0x196: {  	s3 =	rddreg [dreg:$0x2];
	[bflag:$0x3] =	sbarrier.arrive $0xFFFF;
	s2 =	simm.s32 @!p0 $0x1C01  }
0x197: {  	[timem:s3], [sflag:s2] =	dma.local @!p0 [hbm:s0], s1  }
0x198: {  	s0 =	simm.s32 @!p0 $0x1  }
0x199: {  	_ =	swait.ge @!p0 [sflag:s0], s1  }
0x19a: {  	s1 =	ssub.s32 @!p0 $0x0, s1;
	[sflag:s0] =	ssyncset.done @!p0 $0x0  }
0x19b: {  	[sflag:s0] =	ssyncadd.s32 @!p0 s1  }
0x19c: {  	[bflag:$0x3] =	sbarrier.arrive $0xFFFF  }
0x19d: {  	_ =	shalt  }

</sc_bundles>
